<compile_context>
chip_gen: v7x
topology: tpu7x:2x2x1
jax: 0.10.2.dev20260603
libtpu: 0.0.44.dev20260713+nightly
codegen_flags: <defaults>
</compile_context>

<pallas_src>
import functools

import jax
import jax.numpy as jnp
from jax import lax
from jax.experimental import pallas as pl
from jax.experimental.pallas import tpu as pltpu
from jax.experimental.pallas import tpu_sc as plsc

EPS = 1e-5
DP = 144


def _sc_segment_sum(xa, packed3):
    n_nodes, dp = xa.shape
    nc, ns = 2, 16
    nw = nc * ns
    _, n_iter, k = packed3.shape
    assert n_iter % 2 == 1 and n_iter >= 3 and k % 16 == 0
    rows_per_sub = n_nodes // ns
    assert rows_per_sub * ns == n_nodes

    mesh = plsc.VectorSubcoreMesh(core_axis_name="c", subcore_axis_name="s",
                                  num_cores=nc, num_subcores=ns)

    @functools.partial(
        pl.kernel,
        out_type=jax.ShapeDtypeStruct((nc, n_nodes, dp), jnp.float32),
        mesh=mesh,
        compiler_params=pltpu.CompilerParams(use_tc_tiling_on_sc=False),
        scratch_types=[
            pltpu.VMEM((n_iter, k), jnp.int32),
            pltpu.VMEM((k,), jnp.int32),
            pltpu.VMEM((k,), jnp.int32),
            pltpu.VMEM((k,), jnp.int32),
            pltpu.VMEM((k,), jnp.int32),
            pltpu.VMEM((k, dp), jnp.float32),
            pltpu.VMEM((k, dp), jnp.float32),
            pltpu.VMEM_SHARED((n_nodes, dp), jnp.float32),
            pltpu.SemaphoreType.DMA,
            pltpu.SemaphoreType.DMA,
            pltpu.SemaphoreType.DMA,
            pltpu.SemaphoreType.DMA,
        ],
    )
    def seg_kernel(xa_hbm, pk_hbm, out_hbm,
                   pk_all, src_a, dst_a, src_b, dst_b, rows_a, rows_b,
                   agg_sh, gsem_a, gsem_b, ssem_a, ssem_b):
        c = lax.axis_index("c")
        s = lax.axis_index("s")
        wid = s * nc + c
        pltpu.sync_copy(pk_hbm.at[wid], pk_all)
        zvec = jnp.zeros((16,), jnp.float32)

        def zrow(r, carry):
            for w in range(dp // 16):
                rows_a[r, pl.ds(16 * w, 16)] = zvec
            return carry

        lax.fori_loop(0, k, zrow, 0)
        n_full = rows_per_sub // k
        rem = rows_per_sub - n_full * k
        for t in range(n_full):
            pltpu.sync_copy(rows_a,
                            agg_sh.at[pl.ds(s * rows_per_sub + t * k, k)])
        if rem:
            pltpu.sync_copy(
                rows_a.at[pl.ds(0, rem)],
                agg_sh.at[pl.ds(s * rows_per_sub + n_full * k, rem)])
        plsc.subcore_barrier()

        def unpack(i, src_v, dst_v):
            for w in range(k // 16):
                pv = pk_all[i, pl.ds(16 * w, 16)]
                src_v[pl.ds(16 * w, 16)] = lax.shift_right_logical(pv, 16)
                dst_v[pl.ds(16 * w, 16)] = lax.bitwise_and(pv, 0xFFFF)

        def g_start(i, src_v, rows, sem):
            pltpu.async_copy(xa_hbm.at[src_v], rows, sem)

        def g_wait(rows, sem):
            pltpu.make_async_copy(xa_hbm.at[src_a], rows, sem).wait()

        def s_start(dst_v, rows, sem):
            pltpu.async_copy(rows, agg_sh.at[dst_v], sem, add=True)

        def s_wait(dst_v, rows, sem):
            pltpu.make_async_copy(rows, agg_sh.at[dst_v], sem).wait()

        unpack(0, src_a, dst_a)
        g_start(0, src_a, rows_a, gsem_a)
        unpack(1, src_b, dst_b)
        g_start(1, src_b, rows_b, gsem_b)

        def body(j, carry):
            i0 = 2 * j
            g_wait(rows_a, gsem_a)
            s_start(dst_a, rows_a, ssem_a)
            s_wait(dst_a, rows_a, ssem_a)
            unpack(i0 + 2, src_a, dst_a)
            g_start(i0 + 2, src_a, rows_a, gsem_a)
            g_wait(rows_b, gsem_b)
            s_start(dst_b, rows_b, ssem_b)
            s_wait(dst_b, rows_b, ssem_b)
            unpack(i0 + 3, src_b, dst_b)
            g_start(i0 + 3, src_b, rows_b, gsem_b)
            return carry

        lax.fori_loop(0, (n_iter - 3) // 2, body, 0)
        g_wait(rows_a, gsem_a)
        s_start(dst_a, rows_a, ssem_a)
        s_wait(dst_a, rows_a, ssem_a)
        unpack(n_iter - 1, src_a, dst_a)
        g_start(n_iter - 1, src_a, rows_a, gsem_a)
        g_wait(rows_b, gsem_b)
        s_start(dst_b, rows_b, ssem_b)
        s_wait(dst_b, rows_b, ssem_b)
        g_wait(rows_a, gsem_a)
        s_start(dst_a, rows_a, ssem_a)
        s_wait(dst_a, rows_a, ssem_a)
        plsc.subcore_barrier()
        pltpu.sync_copy(agg_sh.at[pl.ds(s * rows_per_sub, rows_per_sub)],
                        out_hbm.at[c, pl.ds(s * rows_per_sub, rows_per_sub)])

    return seg_kernel(xa, packed3)


def _tc_right(x, w_r, b_l):
    n_nodes, d = x.shape
    blk = 1000
    grid = n_nodes // blk

    def body(x_ref, wr_ref, b_ref, o_ref):
        o_ref[...] = lax.dot_general(
            x_ref[...], wr_ref[...], (((1,), (1,)), ((), ())),
            preferred_element_type=jnp.float32) + b_ref[...]

    return pl.pallas_call(
        body,
        grid=(grid,),
        in_specs=[
            pl.BlockSpec((blk, d), lambda i: (i, 0)),
            pl.BlockSpec((d, d), lambda i: (0, 0)),
            pl.BlockSpec((1, d), lambda i: (0, 0)),
        ],
        out_specs=pl.BlockSpec((blk, d), lambda i: (i, 0)),
        out_shape=jax.ShapeDtypeStruct((n_nodes, d), jnp.float32),
    )(x, w_r, b_l.reshape(1, d))


def _tc_dense(parts, hr, w_l, gamma, beta):
    n_nodes, d = hr.shape
    dp = parts.shape[2]
    blk = 1000
    grid = n_nodes // blk
    assert grid * blk == n_nodes

    def body(p_ref, hr_ref, wl_ref, g_ref, bt_ref, o_ref,
             h_ref, s_ref, q_ref):
        i = pl.program_id(0)
        a = p_ref[0] + p_ref[1]
        cnt = a[:, d:d + 1]
        mean = a[:, :d] / jnp.maximum(cnt, 1.0)
        h = lax.dot_general(mean, wl_ref[...], (((1,), (1,)), ((), ())),
                            preferred_element_type=jnp.float32)
        h = h + hr_ref[...]
        h_ref[pl.ds(i * blk, blk), :] = h

        @pl.when(i == 0)
        def _():
            s_ref[...] = jnp.sum(h, axis=0, keepdims=True)
            q_ref[...] = jnp.sum(h * h, axis=0, keepdims=True)

        @pl.when(i > 0)
        def _():
            s_ref[...] += jnp.sum(h, axis=0, keepdims=True)
            q_ref[...] += jnp.sum(h * h, axis=0, keepdims=True)

        @pl.when(i == grid - 1)
        def _():
            mu = s_ref[...] * (1.0 / n_nodes)
            var = q_ref[...] * (1.0 / n_nodes) - mu * mu
            scale = g_ref[...] * lax.rsqrt(var + EPS)
            shift = bt_ref[...] - mu * scale
            o_ref[...] = jnp.maximum(h_ref[...] * scale + shift, 0.0)

    return pl.pallas_call(
        body,
        grid=(grid,),
        in_specs=[
            pl.BlockSpec((2, blk, dp), lambda i: (0, i, 0)),
            pl.BlockSpec((blk, d), lambda i: (i, 0)),
            pl.BlockSpec((d, d), lambda i: (0, 0)),
            pl.BlockSpec((1, d), lambda i: (0, 0)),
            pl.BlockSpec((1, d), lambda i: (0, 0)),
        ],
        out_specs=pl.BlockSpec((n_nodes, d), lambda i: (0, 0)),
        scratch_shapes=[
            pltpu.VMEM((n_nodes, d), jnp.float32),
            pltpu.VMEM((1, d), jnp.float32),
            pltpu.VMEM((1, d), jnp.float32),
        ],
        out_shape=jax.ShapeDtypeStruct((n_nodes, d), jnp.float32),
    )(parts, hr, w_l, gamma.reshape(1, d), beta.reshape(1, d))


def kernel(x, edge_index, W_l, b_l, W_r, bn_gamma, bn_beta):
    n_nodes, d = x.shape
    n_edges = edge_index.shape[1]
    nw, k = 32, 80
    n_iter = n_edges // (nw * k)
    assert n_iter * nw * k == n_edges
    packed3 = (edge_index[0] * 65536 + edge_index[1]).reshape(nw, n_iter, k)
    pad = jnp.zeros((n_nodes, DP - d), x.dtype).at[:, 0].set(1.0)
    xa = jnp.concatenate([x, pad], axis=1)
    parts = _sc_segment_sum(xa, packed3)
    hr = _tc_right(x, W_r, b_l)
    return _tc_dense(parts, hr, W_l, bn_gamma, bn_beta)

# --- scband reference (transcript-rebuilt; emitter-appended) ---
"""Pipeline reference for scband-graph-sageblock-66932770341396 (READ-ONLY COPY).

The authoritative reference and input builder live on the scoring server;
editing this copy changes nothing except your own understanding.
"""

import jax, jax.numpy as jnp
import numpy as np

N = 10000
E = 320000
D = 128
EPS = 1e-5


def setup_inputs(seed: int = 0) -> dict:
    key = jax.random.key(seed)
    ks = jax.random.split(key, 8)
    x = jax.random.normal(ks[0], (N, D), dtype=jnp.float32)
    edge_index = jax.random.randint(ks[1], (2, E), 0, N, dtype=jnp.int32)
    scale = 1.0 / np.sqrt(D)
    W_l = jax.random.normal(ks[2], (D, D), dtype=jnp.float32) * scale
    b_l = jnp.zeros((D,), dtype=jnp.float32)
    W_r = jax.random.normal(ks[3], (D, D), dtype=jnp.float32) * scale
    bn_gamma = jnp.ones((D,), dtype=jnp.float32)
    bn_beta = jnp.zeros((D,), dtype=jnp.float32)
    return {"x": x, "edge_index": edge_index, "W_l": W_l, "b_l": b_l, "W_r": W_r, "bn_gamma": bn_gamma, "bn_beta": bn_beta}


def reference(x, edge_index, W_l, b_l, W_r, bn_gamma, bn_beta):
    # SAGEConv(mean): out = lin_l(mean_{u in N(v)} x_u) + lin_r(x_v)
    src = edge_index[0]
    dst = edge_index[1]
    msgs = jnp.take(x, src, axis=0)                         # gather  [E, D]
    agg = jax.ops.segment_sum(msgs, dst, num_segments=N)    # scatter-add [N, D]
    cnt = jax.ops.segment_sum(jnp.ones((E,), dtype=x.dtype), dst, num_segments=N)
    mean_agg = agg / jnp.clip(cnt, 1.0, None)[:, None]
    out = mean_agg @ W_l.T + b_l + x @ W_r.T
    # BatchNorm1d (training-mode batch statistics, biased variance)
    mu = jnp.mean(out, axis=0)
    var = jnp.var(out, axis=0)
    out = bn_gamma * (out - mu) / jnp.sqrt(var + EPS) + bn_beta
    out = jax.nn.relu(out)
    # dropout is identity in deterministic/eval reference
    return out

if __name__ == "__main__":
    import jax
    _d = setup_inputs()
    print(jax.jit(kernel)(*tuple(_d.values())))

</pallas_src>

<mosaic_0001>
#map = affine_map<(d0, d1) -> (0, 0)>
#map1 = affine_map<(d0, d1) -> (0, 0, 0)>
module attributes {stable_mosaic.version = 14 : i64} {
  func.func @seg_kernel(%arg0: i32, %arg1: i32, %arg2: memref<10000x144xf32, #tpu.memory_space<hbm>>, %arg3: memref<32x125x80xi32, #tpu.memory_space<hbm>>, %arg4: memref<2x10000x144xf32, #tpu.memory_space<hbm>>, %arg5: memref<125x80xi32, #tpu.memory_space<vmem>>, %arg6: memref<80xi32, #tpu.memory_space<vmem>>, %arg7: memref<80xi32, #tpu.memory_space<vmem>>, %arg8: memref<80xi32, #tpu.memory_space<vmem>>, %arg9: memref<80xi32, #tpu.memory_space<vmem>>, %arg10: memref<80x144xf32, #tpu.memory_space<vmem>>, %arg11: memref<80x144xf32, #tpu.memory_space<vmem>>, %arg12: memref<10000x144xf32, #tpu.memory_space<vmem_shared>>, %arg13: memref<!tpu.dma_semaphore, #tpu.memory_space<semaphore_mem>>, %arg14: memref<!tpu.dma_semaphore, #tpu.memory_space<semaphore_mem>>, %arg15: memref<!tpu.dma_semaphore, #tpu.memory_space<semaphore_mem>>, %arg16: memref<!tpu.dma_semaphore, #tpu.memory_space<semaphore_mem>>) attributes {dimension_semantics = [#tpu.dimension_semantics<core_parallel>, #tpu.dimension_semantics<subcore_parallel>], iteration_bounds = array<i64: 2, 16>, scalar_prefetch = 0 : i64, scratch_operands = 12 : i64, tpu.core_type = #tpu.core_type<sc_vector_subcore>, window_params = [{transform_indices = #map}, {transform_indices = #map1}, {transform_indices = #map1}]} {
    %mul3A = arith.constant 2 : i32
    %mul3A_0 = arith.muli %arg1, %mul3A : i32
    %add3A = arith.addi %mul3A_0, %arg0 : i32
    "tpu.region"() ({
      %run_scoped3A = tpu.sem_alloc : memref<!tpu.dma_semaphore, #tpu.memory_space<semaphore_mem>>
      %dma_start3A_365 = arith.constant 0 : i32
      %dma_start3A_366 = arith.constant 0 : i32
      %dma_start3A_367 = tpu.memref_slice %arg3[%add3A, %dma_start3A_365, %dma_start3A_366] : memref<32x125x80xi32, #tpu.memory_space<hbm>> -> memref<1x125x80xi32, #tpu.memory_space<hbm>>
      %dma_start3A_368 = tpu.memref_squeeze %dma_start3A_367 : memref<1x125x80xi32, #tpu.memory_space<hbm>> -> memref<125x80xi32, #tpu.memory_space<hbm>>
      %dma_start3A_369 = arith.constant 0 : i32
      %dma_start3A_370 = arith.constant 0 : i32
      %dma_start3A_371 = tpu.memref_slice %arg3[%add3A, %dma_start3A_369, %dma_start3A_370] : memref<32x125x80xi32, #tpu.memory_space<hbm>> -> memref<1x125x80xi32, #tpu.memory_space<hbm>>
      %dma_start3A_372 = tpu.memref_squeeze %dma_start3A_371 : memref<1x125x80xi32, #tpu.memory_space<hbm>> -> memref<125x80xi32, #tpu.memory_space<hbm>>
      tpu.enqueue_dma source(%dma_start3A_372 : memref<125x80xi32, #tpu.memory_space<hbm>>) target(%arg5 : memref<125x80xi32, #tpu.memory_space<vmem>>) target_semaphore(%run_scoped3A : memref<!tpu.dma_semaphore, #tpu.memory_space<semaphore_mem>>)
      %dma_wait3A_373 = arith.constant 0 : i32
      %dma_wait3A_374 = arith.constant 0 : i32
      %dma_wait3A_375 = tpu.memref_slice %arg3[%add3A, %dma_wait3A_373, %dma_wait3A_374] : memref<32x125x80xi32, #tpu.memory_space<hbm>> -> memref<1x125x80xi32, #tpu.memory_space<hbm>>
      %dma_wait3A_376 = tpu.memref_squeeze %dma_wait3A_375 : memref<1x125x80xi32, #tpu.memory_space<hbm>> -> memref<125x80xi32, #tpu.memory_space<hbm>>
      %dma_wait3A_377 = arith.constant 0 : i32
      %dma_wait3A_378 = arith.constant 0 : i32
      %dma_wait3A_379 = tpu.memref_slice %arg3[%add3A, %dma_wait3A_377, %dma_wait3A_378] : memref<32x125x80xi32, #tpu.memory_space<hbm>> -> memref<1x125x80xi32, #tpu.memory_space<hbm>>
      %dma_wait3A_380 = tpu.memref_squeeze %dma_wait3A_379 : memref<1x125x80xi32, #tpu.memory_space<hbm>> -> memref<125x80xi32, #tpu.memory_space<hbm>>
      tpu.wait_dma2 semaphore(%run_scoped3A : memref<!tpu.dma_semaphore, #tpu.memory_space<semaphore_mem>>) src(%dma_wait3A_380 : memref<125x80xi32, #tpu.memory_space<hbm>>) dst(%arg5 : memref<125x80xi32, #tpu.memory_space<vmem>>)
      tpu.yield
    }) : () -> ()
    %broadcast_in_dim3A = arith.constant 0.000000e+00 : f32
    %broadcast_in_dim3A_1 = vector.broadcast %broadcast_in_dim3A : f32 to vector<16xf32>
    %scan3A = arith.constant 0 : i32
    %scan3A_2 = arith.constant 0 : i32
    %scan3A_3 = arith.constant 80 : i32
    %scan3A_4 = arith.addi %scan3A_2, %scan3A_3 : i32
    %scan3A_5 = arith.constant 1 : i32
    scf.for %scan3A_365 = %scan3A_2 to %scan3A_4 step %scan3A_5  : i32 {
      %swap3A_366 = arith.index_cast %scan3A_365 : i32 to index
      %swap3A_367 = arith.constant 0 : index
      %swap3A_368 = tpu.vector_load %arg10[%swap3A_366, %swap3A_367] {strides = array<i32>} : memref<80x144xf32, #tpu.memory_space<vmem>>, vector<1x16xf32>,
      %swap3A_369 = vector.shape_cast %swap3A_368 : vector<1x16xf32> to vector<16xf32>
      %swap3A_370 = vector.shape_cast %broadcast_in_dim3A_1 : vector<16xf32> to vector<1x16xf32>
      tpu.vector_store %arg10[%swap3A_366, %swap3A_367], %swap3A_370 {strides = array<i32>} : memref<80x144xf32, #tpu.memory_space<vmem>>, vector<1x16xf32>,
      %swap3A_371 = arith.index_cast %scan3A_365 : i32 to index
      %swap3A_372 = arith.constant 16 : index
      %swap3A_373 = tpu.vector_load %arg10[%swap3A_371, %swap3A_372] {strides = array<i32>} : memref<80x144xf32, #tpu.memory_space<vmem>>, vector<1x16xf32>,
      %swap3A_374 = vector.shape_cast %swap3A_373 : vector<1x16xf32> to vector<16xf32>
      %swap3A_375 = vector.shape_cast %broadcast_in_dim3A_1 : vector<16xf32> to vector<1x16xf32>
      tpu.vector_store %arg10[%swap3A_371, %swap3A_372], %swap3A_375 {strides = array<i32>} : memref<80x144xf32, #tpu.memory_space<vmem>>, vector<1x16xf32>,
      %swap3A_376 = arith.index_cast %scan3A_365 : i32 to index
      %swap3A_377 = arith.constant 32 : index
      %swap3A_378 = tpu.vector_load %arg10[%swap3A_376, %swap3A_377] {strides = array<i32>} : memref<80x144xf32, #tpu.memory_space<vmem>>, vector<1x16xf32>,
      %swap3A_379 = vector.shape_cast %swap3A_378 : vector<1x16xf32> to vector<16xf32>
      %swap3A_380 = vector.shape_cast %broadcast_in_dim3A_1 : vector<16xf32> to vector<1x16xf32>
      tpu.vector_store %arg10[%swap3A_376, %swap3A_377], %swap3A_380 {strides = array<i32>} : memref<80x144xf32, #tpu.memory_space<vmem>>, vector<1x16xf32>,
      %swap3A_381 = arith.index_cast %scan3A_365 : i32 to index
      %swap3A_382 = arith.constant 48 : index
      %swap3A_383 = tpu.vector_load %arg10[%swap3A_381, %swap3A_382] {strides = array<i32>} : memref<80x144xf32, #tpu.memory_space<vmem>>, vector<1x16xf32>,
      %swap3A_384 = vector.shape_cast %swap3A_383 : vector<1x16xf32> to vector<16xf32>
      %swap3A_385 = vector.shape_cast %broadcast_in_dim3A_1 : vector<16xf32> to vector<1x16xf32>
      tpu.vector_store %arg10[%swap3A_381, %swap3A_382], %swap3A_385 {strides = array<i32>} : memref<80x144xf32, #tpu.memory_space<vmem>>, vector<1x16xf32>,
      %swap3A_386 = arith.index_cast %scan3A_365 : i32 to index
      %swap3A_387 = arith.constant 64 : index
      %swap3A_388 = tpu.vector_load %arg10[%swap3A_386, %swap3A_387] {strides = array<i32>} : memref<80x144xf32, #tpu.memory_space<vmem>>, vector<1x16xf32>,
      %swap3A_389 = vector.shape_cast %swap3A_388 : vector<1x16xf32> to vector<16xf32>
      %swap3A_390 = vector.shape_cast %broadcast_in_dim3A_1 : vector<16xf32> to vector<1x16xf32>
      tpu.vector_store %arg10[%swap3A_386, %swap3A_387], %swap3A_390 {strides = array<i32>} : memref<80x144xf32, #tpu.memory_space<vmem>>, vector<1x16xf32>,
      %swap3A_391 = arith.index_cast %scan3A_365 : i32 to index
      %swap3A_392 = arith.constant 80 : index
      %swap3A_393 = tpu.vector_load %arg10[%swap3A_391, %swap3A_392] {strides = array<i32>} : memref<80x144xf32, #tpu.memory_space<vmem>>, vector<1x16xf32>,
      %swap3A_394 = vector.shape_cast %swap3A_393 : vector<1x16xf32> to vector<16xf32>
      %swap3A_395 = vector.shape_cast %broadcast_in_dim3A_1 : vector<16xf32> to vector<1x16xf32>
      tpu.vector_store %arg10[%swap3A_391, %swap3A_392], %swap3A_395 {strides = array<i32>} : memref<80x144xf32, #tpu.memory_space<vmem>>, vector<1x16xf32>,
      %swap3A_396 = arith.index_cast %scan3A_365 : i32 to index
      %swap3A_397 = arith.constant 96 : index
      %swap3A_398 = tpu.vector_load %arg10[%swap3A_396, %swap3A_397] {strides = array<i32>} : memref<80x144xf32, #tpu.memory_space<vmem>>, vector<1x16xf32>,
      %swap3A_399 = vector.shape_cast %swap3A_398 : vector<1x16xf32> to vector<16xf32>
      %swap3A_400 = vector.shape_cast %broadcast_in_dim3A_1 : vector<16xf32> to vector<1x16xf32>
      tpu.vector_store %arg10[%swap3A_396, %swap3A_397], %swap3A_400 {strides = array<i32>} : memref<80x144xf32, #tpu.memory_space<vmem>>, vector<1x16xf32>,
      %swap3A_401 = arith.index_cast %scan3A_365 : i32 to index
      %swap3A_402 = arith.constant 112 : index
      %swap3A_403 = tpu.vector_load %arg10[%swap3A_401, %swap3A_402] {strides = array<i32>} : memref<80x144xf32, #tpu.memory_space<vmem>>, vector<1x16xf32>,
      %swap3A_404 = vector.shape_cast %swap3A_403 : vector<1x16xf32> to vector<16xf32>
      %swap3A_405 = vector.shape_cast %broadcast_in_dim3A_1 : vector<16xf32> to vector<1x16xf32>
      tpu.vector_store %arg10[%swap3A_401, %swap3A_402], %swap3A_405 {strides = array<i32>} : memref<80x144xf32, #tpu.memory_space<vmem>>, vector<1x16xf32>,
      %swap3A_406 = arith.index_cast %scan3A_365 : i32 to index
      %swap3A_407 = arith.constant 128 : index
      %swap3A_408 = tpu.vector_load %arg10[%swap3A_406, %swap3A_407] {strides = array<i32>} : memref<80x144xf32, #tpu.memory_space<vmem>>, vector<1x16xf32>,
      %swap3A_409 = vector.shape_cast %swap3A_408 : vector<1x16xf32> to vector<16xf32>
      %swap3A_410 = vector.shape_cast %broadcast_in_dim3A_1 : vector<16xf32> to vector<1x16xf32>
      tpu.vector_store %arg10[%swap3A_406, %swap3A_407], %swap3A_410 {strides = array<i32>} : memref<80x144xf32, #tpu.memory_space<vmem>>, vector<1x16xf32>,
    }
    %scan3A_6 = arith.constant 80 : i32
    %mul3A_7 = arith.constant 625 : i32
    %mul3A_8 = arith.muli %arg1, %mul3A_7 : i32
    %add3A_9 = arith.constant 0 : i32
    %add3A_10 = arith.addi %mul3A_8, %add3A_9 : i32
    "tpu.region"() ({
      %run_scoped3A = tpu.sem_alloc : memref<!tpu.dma_semaphore, #tpu.memory_space<semaphore_mem>>
      %dma_start3A_365 = arith.constant 0 : i32
      %dma_start3A_366 = tpu.memref_slice %arg12[%add3A_10, %dma_start3A_365] : memref<10000x144xf32, #tpu.memory_space<vmem_shared>> -> memref<80x144xf32, #tpu.memory_space<vmem_shared>>
      %dma_start3A_367 = arith.constant 0 : i32
      %dma_start3A_368 = tpu.memref_slice %arg12[%add3A_10, %dma_start3A_367] : memref<10000x144xf32, #tpu.memory_space<vmem_shared>> -> memref<80x144xf32, #tpu.memory_space<vmem_shared>>
      tpu.enqueue_dma source(%arg10 : memref<80x144xf32, #tpu.memory_space<vmem>>) target(%dma_start3A_368 : memref<80x144xf32, #tpu.memory_space<vmem_shared>>) target_semaphore(%run_scoped3A : memref<!tpu.dma_semaphore, #tpu.memory_space<semaphore_mem>>)
      %dma_wait3A_369 = arith.constant 0 : i32
      %dma_wait3A_370 = tpu.memref_slice %arg12[%add3A_10, %dma_wait3A_369] : memref<10000x144xf32, #tpu.memory_space<vmem_shared>> -> memref<80x144xf32, #tpu.memory_space<vmem_shared>>
      %dma_wait3A_371 = arith.constant 0 : i32
      %dma_wait3A_372 = tpu.memref_slice %arg12[%add3A_10, %dma_wait3A_371] : memref<10000x144xf32, #tpu.memory_space<vmem_shared>> -> memref<80x144xf32, #tpu.memory_space<vmem_shared>>
      tpu.wait_dma2 semaphore(%run_scoped3A : memref<!tpu.dma_semaphore, #tpu.memory_space<semaphore_mem>>) src(%arg10 : memref<80x144xf32, #tpu.memory_space<vmem>>) dst(%dma_wait3A_372 : memref<80x144xf32, #tpu.memory_space<vmem_shared>>)
      tpu.yield
    }) : () -> ()
    %mul3A_11 = arith.constant 625 : i32
    %mul3A_12 = arith.muli %arg1, %mul3A_11 : i32
    %add3A_13 = arith.constant 80 : i32
    %add3A_14 = arith.addi %mul3A_12, %add3A_13 : i32
    "tpu.region"() ({
      %run_scoped3A = tpu.sem_alloc : memref<!tpu.dma_semaphore, #tpu.memory_space<semaphore_mem>>
      %dma_start3A_365 = arith.constant 0 : i32
      %dma_start3A_366 = tpu.memref_slice %arg12[%add3A_14, %dma_start3A_365] : memref<10000x144xf32, #tpu.memory_space<vmem_shared>> -> memref<80x144xf32, #tpu.memory_space<vmem_shared>>
      %dma_start3A_367 = arith.constant 0 : i32
      %dma_start3A_368 = tpu.memref_slice %arg12[%add3A_14, %dma_start3A_367] : memref<10000x144xf32, #tpu.memory_space<vmem_shared>> -> memref<80x144xf32, #tpu.memory_space<vmem_shared>>
      tpu.enqueue_dma source(%arg10 : memref<80x144xf32, #tpu.memory_space<vmem>>) target(%dma_start3A_368 : memref<80x144xf32, #tpu.memory_space<vmem_shared>>) target_semaphore(%run_scoped3A : memref<!tpu.dma_semaphore, #tpu.memory_space<semaphore_mem>>)
      %dma_wait3A_369 = arith.constant 0 : i32
      %dma_wait3A_370 = tpu.memref_slice %arg12[%add3A_14, %dma_wait3A_369] : memref<10000x144xf32, #tpu.memory_space<vmem_shared>> -> memref<80x144xf32, #tpu.memory_space<vmem_shared>>
      %dma_wait3A_371 = arith.constant 0 : i32
      %dma_wait3A_372 = tpu.memref_slice %arg12[%add3A_14, %dma_wait3A_371] : memref<10000x144xf32, #tpu.memory_space<vmem_shared>> -> memref<80x144xf32, #tpu.memory_space<vmem_shared>>
      tpu.wait_dma2 semaphore(%run_scoped3A : memref<!tpu.dma_semaphore, #tpu.memory_space<semaphore_mem>>) src(%arg10 : memref<80x144xf32, #tpu.memory_space<vmem>>) dst(%dma_wait3A_372 : memref<80x144xf32, #tpu.memory_space<vmem_shared>>)
      tpu.yield
    }) : () -> ()
    %mul3A_15 = arith.constant 625 : i32
    %mul3A_16 = arith.muli %arg1, %mul3A_15 : i32
    %add3A_17 = arith.constant 160 : i32
    %add3A_18 = arith.addi %mul3A_16, %add3A_17 : i32
    "tpu.region"() ({
      %run_scoped3A = tpu.sem_alloc : memref<!tpu.dma_semaphore, #tpu.memory_space<semaphore_mem>>
      %dma_start3A_365 = arith.constant 0 : i32
      %dma_start3A_366 = tpu.memref_slice %arg12[%add3A_18, %dma_start3A_365] : memref<10000x144xf32, #tpu.memory_space<vmem_shared>> -> memref<80x144xf32, #tpu.memory_space<vmem_shared>>
      %dma_start3A_367 = arith.constant 0 : i32
      %dma_start3A_368 = tpu.memref_slice %arg12[%add3A_18, %dma_start3A_367] : memref<10000x144xf32, #tpu.memory_space<vmem_shared>> -> memref<80x144xf32, #tpu.memory_space<vmem_shared>>
      tpu.enqueue_dma source(%arg10 : memref<80x144xf32, #tpu.memory_space<vmem>>) target(%dma_start3A_368 : memref<80x144xf32, #tpu.memory_space<vmem_shared>>) target_semaphore(%run_scoped3A : memref<!tpu.dma_semaphore, #tpu.memory_space<semaphore_mem>>)
      %dma_wait3A_369 = arith.constant 0 : i32
      %dma_wait3A_370 = tpu.memref_slice %arg12[%add3A_18, %dma_wait3A_369] : memref<10000x144xf32, #tpu.memory_space<vmem_shared>> -> memref<80x144xf32, #tpu.memory_space<vmem_shared>>
      %dma_wait3A_371 = arith.constant 0 : i32
      %dma_wait3A_372 = tpu.memref_slice %arg12[%add3A_18, %dma_wait3A_371] : memref<10000x144xf32, #tpu.memory_space<vmem_shared>> -> memref<80x144xf32, #tpu.memory_space<vmem_shared>>
      tpu.wait_dma2 semaphore(%run_scoped3A : memref<!tpu.dma_semaphore, #tpu.memory_space<semaphore_mem>>) src(%arg10 : memref<80x144xf32, #tpu.memory_space<vmem>>) dst(%dma_wait3A_372 : memref<80x144xf32, #tpu.memory_space<vmem_shared>>)
      tpu.yield
    }) : () -> ()
    %mul3A_19 = arith.constant 625 : i32
    %mul3A_20 = arith.muli %arg1, %mul3A_19 : i32
    %add3A_21 = arith.constant 240 : i32
    %add3A_22 = arith.addi %mul3A_20, %add3A_21 : i32
    "tpu.region"() ({
      %run_scoped3A = tpu.sem_alloc : memref<!tpu.dma_semaphore, #tpu.memory_space<semaphore_mem>>
      %dma_start3A_365 = arith.constant 0 : i32
      %dma_start3A_366 = tpu.memref_slice %arg12[%add3A_22, %dma_start3A_365] : memref<10000x144xf32, #tpu.memory_space<vmem_shared>> -> memref<80x144xf32, #tpu.memory_space<vmem_shared>>
      %dma_start3A_367 = arith.constant 0 : i32
      %dma_start3A_368 = tpu.memref_slice %arg12[%add3A_22, %dma_start3A_367] : memref<10000x144xf32, #tpu.memory_space<vmem_shared>> -> memref<80x144xf32, #tpu.memory_space<vmem_shared>>
      tpu.enqueue_dma source(%arg10 : memref<80x144xf32, #tpu.memory_space<vmem>>) target(%dma_start3A_368 : memref<80x144xf32, #tpu.memory_space<vmem_shared>>) target_semaphore(%run_scoped3A : memref<!tpu.dma_semaphore, #tpu.memory_space<semaphore_mem>>)
      %dma_wait3A_369 = arith.constant 0 : i32
      %dma_wait3A_370 = tpu.memref_slice %arg12[%add3A_22, %dma_wait3A_369] : memref<10000x144xf32, #tpu.memory_space<vmem_shared>> -> memref<80x144xf32, #tpu.memory_space<vmem_shared>>
      %dma_wait3A_371 = arith.constant 0 : i32
      %dma_wait3A_372 = tpu.memref_slice %arg12[%add3A_22, %dma_wait3A_371] : memref<10000x144xf32, #tpu.memory_space<vmem_shared>> -> memref<80x144xf32, #tpu.memory_space<vmem_shared>>
      tpu.wait_dma2 semaphore(%run_scoped3A : memref<!tpu.dma_semaphore, #tpu.memory_space<semaphore_mem>>) src(%arg10 : memref<80x144xf32, #tpu.memory_space<vmem>>) dst(%dma_wait3A_372 : memref<80x144xf32, #tpu.memory_space<vmem_shared>>)
      tpu.yield
    }) : () -> ()
    %mul3A_23 = arith.constant 625 : i32
    %mul3A_24 = arith.muli %arg1, %mul3A_23 : i32
    %add3A_25 = arith.constant 320 : i32
    %add3A_26 = arith.addi %mul3A_24, %add3A_25 : i32
    "tpu.region"() ({
      %run_scoped3A = tpu.sem_alloc : memref<!tpu.dma_semaphore, #tpu.memory_space<semaphore_mem>>
      %dma_start3A_365 = arith.constant 0 : i32
      %dma_start3A_366 = tpu.memref_slice %arg12[%add3A_26, %dma_start3A_365] : memref<10000x144xf32, #tpu.memory_space<vmem_shared>> -> memref<80x144xf32, #tpu.memory_space<vmem_shared>>
      %dma_start3A_367 = arith.constant 0 : i32
      %dma_start3A_368 = tpu.memref_slice %arg12[%add3A_26, %dma_start3A_367] : memref<10000x144xf32, #tpu.memory_space<vmem_shared>> -> memref<80x144xf32, #tpu.memory_space<vmem_shared>>
      tpu.enqueue_dma source(%arg10 : memref<80x144xf32, #tpu.memory_space<vmem>>) target(%dma_start3A_368 : memref<80x144xf32, #tpu.memory_space<vmem_shared>>) target_semaphore(%run_scoped3A : memref<!tpu.dma_semaphore, #tpu.memory_space<semaphore_mem>>)
      %dma_wait3A_369 = arith.constant 0 : i32
      %dma_wait3A_370 = tpu.memref_slice %arg12[%add3A_26, %dma_wait3A_369] : memref<10000x144xf32, #tpu.memory_space<vmem_shared>> -> memref<80x144xf32, #tpu.memory_space<vmem_shared>>
      %dma_wait3A_371 = arith.constant 0 : i32
      %dma_wait3A_372 = tpu.memref_slice %arg12[%add3A_26, %dma_wait3A_371] : memref<10000x144xf32, #tpu.memory_space<vmem_shared>> -> memref<80x144xf32, #tpu.memory_space<vmem_shared>>
      tpu.wait_dma2 semaphore(%run_scoped3A : memref<!tpu.dma_semaphore, #tpu.memory_space<semaphore_mem>>) src(%arg10 : memref<80x144xf32, #tpu.memory_space<vmem>>) dst(%dma_wait3A_372 : memref<80x144xf32, #tpu.memory_space<vmem_shared>>)
      tpu.yield
    }) : () -> ()
    %mul3A_27 = arith.constant 625 : i32
    %mul3A_28 = arith.muli %arg1, %mul3A_27 : i32
    %add3A_29 = arith.constant 400 : i32
    %add3A_30 = arith.addi %mul3A_28, %add3A_29 : i32
    "tpu.region"() ({
      %run_scoped3A = tpu.sem_alloc : memref<!tpu.dma_semaphore, #tpu.memory_space<semaphore_mem>>
      %dma_start3A_365 = arith.constant 0 : i32
      %dma_start3A_366 = tpu.memref_slice %arg12[%add3A_30, %dma_start3A_365] : memref<10000x144xf32, #tpu.memory_space<vmem_shared>> -> memref<80x144xf32, #tpu.memory_space<vmem_shared>>
      %dma_start3A_367 = arith.constant 0 : i32
      %dma_start3A_368 = tpu.memref_slice %arg12[%add3A_30, %dma_start3A_367] : memref<10000x144xf32, #tpu.memory_space<vmem_shared>> -> memref<80x144xf32, #tpu.memory_space<vmem_shared>>
      tpu.enqueue_dma source(%arg10 : memref<80x144xf32, #tpu.memory_space<vmem>>) target(%dma_start3A_368 : memref<80x144xf32, #tpu.memory_space<vmem_shared>>) target_semaphore(%run_scoped3A : memref<!tpu.dma_semaphore, #tpu.memory_space<semaphore_mem>>)
      %dma_wait3A_369 = arith.constant 0 : i32
      %dma_wait3A_370 = tpu.memref_slice %arg12[%add3A_30, %dma_wait3A_369] : memref<10000x144xf32, #tpu.memory_space<vmem_shared>> -> memref<80x144xf32, #tpu.memory_space<vmem_shared>>
      %dma_wait3A_371 = arith.constant 0 : i32
      %dma_wait3A_372 = tpu.memref_slice %arg12[%add3A_30, %dma_wait3A_371] : memref<10000x144xf32, #tpu.memory_space<vmem_shared>> -> memref<80x144xf32, #tpu.memory_space<vmem_shared>>
      tpu.wait_dma2 semaphore(%run_scoped3A : memref<!tpu.dma_semaphore, #tpu.memory_space<semaphore_mem>>) src(%arg10 : memref<80x144xf32, #tpu.memory_space<vmem>>) dst(%dma_wait3A_372 : memref<80x144xf32, #tpu.memory_space<vmem_shared>>)
      tpu.yield
    }) : () -> ()
    %mul3A_31 = arith.constant 625 : i32
    %mul3A_32 = arith.muli %arg1, %mul3A_31 : i32
    %add3A_33 = arith.constant 480 : i32
    %add3A_34 = arith.addi %mul3A_32, %add3A_33 : i32
    "tpu.region"() ({
      %run_scoped3A = tpu.sem_alloc : memref<!tpu.dma_semaphore, #tpu.memory_space<semaphore_mem>>
      %dma_start3A_365 = arith.constant 0 : i32
      %dma_start3A_366 = tpu.memref_slice %arg12[%add3A_34, %dma_start3A_365] : memref<10000x144xf32, #tpu.memory_space<vmem_shared>> -> memref<80x144xf32, #tpu.memory_space<vmem_shared>>
      %dma_start3A_367 = arith.constant 0 : i32
      %dma_start3A_368 = tpu.memref_slice %arg12[%add3A_34, %dma_start3A_367] : memref<10000x144xf32, #tpu.memory_space<vmem_shared>> -> memref<80x144xf32, #tpu.memory_space<vmem_shared>>
      tpu.enqueue_dma source(%arg10 : memref<80x144xf32, #tpu.memory_space<vmem>>) target(%dma_start3A_368 : memref<80x144xf32, #tpu.memory_space<vmem_shared>>) target_semaphore(%run_scoped3A : memref<!tpu.dma_semaphore, #tpu.memory_space<semaphore_mem>>)
      %dma_wait3A_369 = arith.constant 0 : i32
      %dma_wait3A_370 = tpu.memref_slice %arg12[%add3A_34, %dma_wait3A_369] : memref<10000x144xf32, #tpu.memory_space<vmem_shared>> -> memref<80x144xf32, #tpu.memory_space<vmem_shared>>
      %dma_wait3A_371 = arith.constant 0 : i32
      %dma_wait3A_372 = tpu.memref_slice %arg12[%add3A_34, %dma_wait3A_371] : memref<10000x144xf32, #tpu.memory_space<vmem_shared>> -> memref<80x144xf32, #tpu.memory_space<vmem_shared>>
      tpu.wait_dma2 semaphore(%run_scoped3A : memref<!tpu.dma_semaphore, #tpu.memory_space<semaphore_mem>>) src(%arg10 : memref<80x144xf32, #tpu.memory_space<vmem>>) dst(%dma_wait3A_372 : memref<80x144xf32, #tpu.memory_space<vmem_shared>>)
      tpu.yield
    }) : () -> ()
    %mul3A_35 = arith.constant 625 : i32
    %mul3A_36 = arith.muli %arg1, %mul3A_35 : i32
    %add3A_37 = arith.constant 560 : i32
    %add3A_38 = arith.addi %mul3A_36, %add3A_37 : i32
    "tpu.region"() ({
      %run_scoped3A = tpu.sem_alloc : memref<!tpu.dma_semaphore, #tpu.memory_space<semaphore_mem>>
      %dma_start3A_365 = arith.constant 0 : i32
      %dma_start3A_366 = arith.constant 0 : i32
      %dma_start3A_367 = tpu.memref_slice %arg10[%dma_start3A_365, %dma_start3A_366] : memref<80x144xf32, #tpu.memory_space<vmem>> -> memref<65x144xf32, #tpu.memory_space<vmem>>
      %dma_start3A_368 = arith.constant 0 : i32
      %dma_start3A_369 = tpu.memref_slice %arg12[%add3A_38, %dma_start3A_368] : memref<10000x144xf32, #tpu.memory_space<vmem_shared>> -> memref<65x144xf32, #tpu.memory_space<vmem_shared>>
      %dma_start3A_370 = arith.constant 0 : i32
      %dma_start3A_371 = tpu.memref_slice %arg12[%add3A_38, %dma_start3A_370] : memref<10000x144xf32, #tpu.memory_space<vmem_shared>> -> memref<65x144xf32, #tpu.memory_space<vmem_shared>>
      %dma_start3A_372 = arith.constant 0 : i32
      %dma_start3A_373 = arith.constant 0 : i32
      %dma_start3A_374 = tpu.memref_slice %arg10[%dma_start3A_372, %dma_start3A_373] : memref<80x144xf32, #tpu.memory_space<vmem>> -> memref<65x144xf32, #tpu.memory_space<vmem>>
      tpu.enqueue_dma source(%dma_start3A_374 : memref<65x144xf32, #tpu.memory_space<vmem>>) target(%dma_start3A_371 : memref<65x144xf32, #tpu.memory_space<vmem_shared>>) target_semaphore(%run_scoped3A : memref<!tpu.dma_semaphore, #tpu.memory_space<semaphore_mem>>)
      %dma_wait3A_375 = arith.constant 0 : i32
      %dma_wait3A_376 = arith.constant 0 : i32
      %dma_wait3A_377 = tpu.memref_slice %arg10[%dma_wait3A_375, %dma_wait3A_376] : memref<80x144xf32, #tpu.memory_space<vmem>> -> memref<65x144xf32, #tpu.memory_space<vmem>>
      %dma_wait3A_378 = arith.constant 0 : i32
      %dma_wait3A_379 = tpu.memref_slice %arg12[%add3A_38, %dma_wait3A_378] : memref<10000x144xf32, #tpu.memory_space<vmem_shared>> -> memref<65x144xf32, #tpu.memory_space<vmem_shared>>
      %dma_wait3A_380 = arith.constant 0 : i32
      %dma_wait3A_381 = tpu.memref_slice %arg12[%add3A_38, %dma_wait3A_380] : memref<10000x144xf32, #tpu.memory_space<vmem_shared>> -> memref<65x144xf32, #tpu.memory_space<vmem_shared>>
      %dma_wait3A_382 = arith.constant 0 : i32
      %dma_wait3A_383 = arith.constant 0 : i32
      %dma_wait3A_384 = tpu.memref_slice %arg10[%dma_wait3A_382, %dma_wait3A_383] : memref<80x144xf32, #tpu.memory_space<vmem>> -> memref<65x144xf32, #tpu.memory_space<vmem>>
      tpu.wait_dma2 semaphore(%run_scoped3A : memref<!tpu.dma_semaphore, #tpu.memory_space<semaphore_mem>>) src(%dma_wait3A_384 : memref<65x144xf32, #tpu.memory_space<vmem>>) dst(%dma_wait3A_381 : memref<65x144xf32, #tpu.memory_space<vmem_shared>>)
      tpu.yield
    }) : () -> ()
    %barrier3A = arith.constant 0 : index
    tpu.barrier barrier_id(%barrier3A)
    %get3A = arith.constant 0 : i32
    %get3A_39 = arith.index_cast %get3A : i32 to index
    %get3A_40 = arith.constant 0 : index
    %get3A_41 = tpu.vector_load %arg5[%get3A_39, %get3A_40] {strides = array<i32>} : memref<125x80xi32, #tpu.memory_space<vmem>>, vector<1x16xi32>,
    %get3A_42 = vector.shape_cast %get3A_41 : vector<1x16xi32> to vector<16xi32>
    %shift_right_logical3A = arith.constant 16 : i32
    %shift_right_logical3A_43 = vector.broadcast %shift_right_logical3A : i32 to vector<16xi32>
    %shift_right_logical3A_44 = arith.shrui %get3A_42, %shift_right_logical3A_43 : vector<16xi32>
    %swap3A = arith.constant 0 : index
    %swap3A_45 = tpu.vector_load %arg6[%swap3A] {strides = array<i32>} : memref<80xi32, #tpu.memory_space<vmem>>, vector<16xi32>,
    %swap3A_46 = vector.shape_cast %swap3A_45 : vector<16xi32> to vector<16xi32>
    %swap3A_47 = vector.shape_cast %shift_right_logical3A_44 : vector<16xi32> to vector<16xi32>
    tpu.vector_store %arg6[%swap3A], %swap3A_47 {strides = array<i32>} : memref<80xi32, #tpu.memory_space<vmem>>, vector<16xi32>,
    %and3A = arith.constant 65535 : i32
    %and3A_48 = vector.broadcast %and3A : i32 to vector<16xi32>
    %and3A_49 = arith.andi %get3A_42, %and3A_48 : vector<16xi32>
    %swap3A_50 = arith.constant 0 : index
    %swap3A_51 = tpu.vector_load %arg7[%swap3A_50] {strides = array<i32>} : memref<80xi32, #tpu.memory_space<vmem>>, vector<16xi32>,
    %swap3A_52 = vector.shape_cast %swap3A_51 : vector<16xi32> to vector<16xi32>
    %swap3A_53 = vector.shape_cast %and3A_49 : vector<16xi32> to vector<16xi32>
    tpu.vector_store %arg7[%swap3A_50], %swap3A_53 {strides = array<i32>} : memref<80xi32, #tpu.memory_space<vmem>>, vector<16xi32>,
    %get3A_54 = arith.constant 0 : i32
    %get3A_55 = arith.index_cast %get3A_54 : i32 to index
    %get3A_56 = arith.constant 16 : index
    %get3A_57 = tpu.vector_load %arg5[%get3A_55, %get3A_56] {strides = array<i32>} : memref<125x80xi32, #tpu.memory_space<vmem>>, vector<1x16xi32>,
    %get3A_58 = vector.shape_cast %get3A_57 : vector<1x16xi32> to vector<16xi32>
    %shift_right_logical3A_59 = arith.constant 16 : i32
    %shift_right_logical3A_60 = vector.broadcast %shift_right_logical3A_59 : i32 to vector<16xi32>
    %shift_right_logical3A_61 = arith.shrui %get3A_58, %shift_right_logical3A_60 : vector<16xi32>
    %swap3A_62 = arith.constant 16 : index
    %swap3A_63 = tpu.vector_load %arg6[%swap3A_62] {strides = array<i32>} : memref<80xi32, #tpu.memory_space<vmem>>, vector<16xi32>,
    %swap3A_64 = vector.shape_cast %swap3A_63 : vector<16xi32> to vector<16xi32>
    %swap3A_65 = vector.shape_cast %shift_right_logical3A_61 : vector<16xi32> to vector<16xi32>
    tpu.vector_store %arg6[%swap3A_62], %swap3A_65 {strides = array<i32>} : memref<80xi32, #tpu.memory_space<vmem>>, vector<16xi32>,
    %and3A_66 = arith.constant 65535 : i32
    %and3A_67 = vector.broadcast %and3A_66 : i32 to vector<16xi32>
    %and3A_68 = arith.andi %get3A_58, %and3A_67 : vector<16xi32>
    %swap3A_69 = arith.constant 16 : index
    %swap3A_70 = tpu.vector_load %arg7[%swap3A_69] {strides = array<i32>} : memref<80xi32, #tpu.memory_space<vmem>>, vector<16xi32>,
    %swap3A_71 = vector.shape_cast %swap3A_70 : vector<16xi32> to vector<16xi32>
    %swap3A_72 = vector.shape_cast %and3A_68 : vector<16xi32> to vector<16xi32>
    tpu.vector_store %arg7[%swap3A_69], %swap3A_72 {strides = array<i32>} : memref<80xi32, #tpu.memory_space<vmem>>, vector<16xi32>,
    %get3A_73 = arith.constant 0 : i32
    %get3A_74 = arith.index_cast %get3A_73 : i32 to index
    %get3A_75 = arith.constant 32 : index
    %get3A_76 = tpu.vector_load %arg5[%get3A_74, %get3A_75] {strides = array<i32>} : memref<125x80xi32, #tpu.memory_space<vmem>>, vector<1x16xi32>,
    %get3A_77 = vector.shape_cast %get3A_76 : vector<1x16xi32> to vector<16xi32>
    %shift_right_logical3A_78 = arith.constant 16 : i32
    %shift_right_logical3A_79 = vector.broadcast %shift_right_logical3A_78 : i32 to vector<16xi32>
    %shift_right_logical3A_80 = arith.shrui %get3A_77, %shift_right_logical3A_79 : vector<16xi32>
    %swap3A_81 = arith.constant 32 : index
    %swap3A_82 = tpu.vector_load %arg6[%swap3A_81] {strides = array<i32>} : memref<80xi32, #tpu.memory_space<vmem>>, vector<16xi32>,
    %swap3A_83 = vector.shape_cast %swap3A_82 : vector<16xi32> to vector<16xi32>
    %swap3A_84 = vector.shape_cast %shift_right_logical3A_80 : vector<16xi32> to vector<16xi32>
    tpu.vector_store %arg6[%swap3A_81], %swap3A_84 {strides = array<i32>} : memref<80xi32, #tpu.memory_space<vmem>>, vector<16xi32>,
    %and3A_85 = arith.constant 65535 : i32
    %and3A_86 = vector.broadcast %and3A_85 : i32 to vector<16xi32>
    %and3A_87 = arith.andi %get3A_77, %and3A_86 : vector<16xi32>
    %swap3A_88 = arith.constant 32 : index
    %swap3A_89 = tpu.vector_load %arg7[%swap3A_88] {strides = array<i32>} : memref<80xi32, #tpu.memory_space<vmem>>, vector<16xi32>,
    %swap3A_90 = vector.shape_cast %swap3A_89 : vector<16xi32> to vector<16xi32>
    %swap3A_91 = vector.shape_cast %and3A_87 : vector<16xi32> to vector<16xi32>
    tpu.vector_store %arg7[%swap3A_88], %swap3A_91 {strides = array<i32>} : memref<80xi32, #tpu.memory_space<vmem>>, vector<16xi32>,
    %get3A_92 = arith.constant 0 : i32
    %get3A_93 = arith.index_cast %get3A_92 : i32 to index
    %get3A_94 = arith.constant 48 : index
    %get3A_95 = tpu.vector_load %arg5[%get3A_93, %get3A_94] {strides = array<i32>} : memref<125x80xi32, #tpu.memory_space<vmem>>, vector<1x16xi32>,
    %get3A_96 = vector.shape_cast %get3A_95 : vector<1x16xi32> to vector<16xi32>
    %shift_right_logical3A_97 = arith.constant 16 : i32
    %shift_right_logical3A_98 = vector.broadcast %shift_right_logical3A_97 : i32 to vector<16xi32>
    %shift_right_logical3A_99 = arith.shrui %get3A_96, %shift_right_logical3A_98 : vector<16xi32>
    %swap3A_100 = arith.constant 48 : index
    %swap3A_101 = tpu.vector_load %arg6[%swap3A_100] {strides = array<i32>} : memref<80xi32, #tpu.memory_space<vmem>>, vector<16xi32>,
    %swap3A_102 = vector.shape_cast %swap3A_101 : vector<16xi32> to vector<16xi32>
    %swap3A_103 = vector.shape_cast %shift_right_logical3A_99 : vector<16xi32> to vector<16xi32>
    tpu.vector_store %arg6[%swap3A_100], %swap3A_103 {strides = array<i32>} : memref<80xi32, #tpu.memory_space<vmem>>, vector<16xi32>,
    %and3A_104 = arith.constant 65535 : i32
    %and3A_105 = vector.broadcast %and3A_104 : i32 to vector<16xi32>
    %and3A_106 = arith.andi %get3A_96, %and3A_105 : vector<16xi32>
    %swap3A_107 = arith.constant 48 : index
    %swap3A_108 = tpu.vector_load %arg7[%swap3A_107] {strides = array<i32>} : memref<80xi32, #tpu.memory_space<vmem>>, vector<16xi32>,
    %swap3A_109 = vector.shape_cast %swap3A_108 : vector<16xi32> to vector<16xi32>
    %swap3A_110 = vector.shape_cast %and3A_106 : vector<16xi32> to vector<16xi32>
    tpu.vector_store %arg7[%swap3A_107], %swap3A_110 {strides = array<i32>} : memref<80xi32, #tpu.memory_space<vmem>>, vector<16xi32>,
    %get3A_111 = arith.constant 0 : i32
    %get3A_112 = arith.index_cast %get3A_111 : i32 to index
    %get3A_113 = arith.constant 64 : index
    %get3A_114 = tpu.vector_load %arg5[%get3A_112, %get3A_113] {strides = array<i32>} : memref<125x80xi32, #tpu.memory_space<vmem>>, vector<1x16xi32>,
    %get3A_115 = vector.shape_cast %get3A_114 : vector<1x16xi32> to vector<16xi32>
    %shift_right_logical3A_116 = arith.constant 16 : i32
    %shift_right_logical3A_117 = vector.broadcast %shift_right_logical3A_116 : i32 to vector<16xi32>
    %shift_right_logical3A_118 = arith.shrui %get3A_115, %shift_right_logical3A_117 : vector<16xi32>
    %swap3A_119 = arith.constant 64 : index
    %swap3A_120 = tpu.vector_load %arg6[%swap3A_119] {strides = array<i32>} : memref<80xi32, #tpu.memory_space<vmem>>, vector<16xi32>,
    %swap3A_121 = vector.shape_cast %swap3A_120 : vector<16xi32> to vector<16xi32>
    %swap3A_122 = vector.shape_cast %shift_right_logical3A_118 : vector<16xi32> to vector<16xi32>
    tpu.vector_store %arg6[%swap3A_119], %swap3A_122 {strides = array<i32>} : memref<80xi32, #tpu.memory_space<vmem>>, vector<16xi32>,
    %and3A_123 = arith.constant 65535 : i32
    %and3A_124 = vector.broadcast %and3A_123 : i32 to vector<16xi32>
    %and3A_125 = arith.andi %get3A_115, %and3A_124 : vector<16xi32>
    %swap3A_126 = arith.constant 64 : index
    %swap3A_127 = tpu.vector_load %arg7[%swap3A_126] {strides = array<i32>} : memref<80xi32, #tpu.memory_space<vmem>>, vector<16xi32>,
    %swap3A_128 = vector.shape_cast %swap3A_127 : vector<16xi32> to vector<16xi32>
    %swap3A_129 = vector.shape_cast %and3A_125 : vector<16xi32> to vector<16xi32>
    tpu.vector_store %arg7[%swap3A_126], %swap3A_129 {strides = array<i32>} : memref<80xi32, #tpu.memory_space<vmem>>, vector<16xi32>,
    %dma_start3A = arith.constant 0 : i32
    %dma_start3A_130 = arith.constant 0 : i32
    %dma_start3A_131 = tpu.memref_slice %arg2[%dma_start3A, %dma_start3A_130] : memref<10000x144xf32, #tpu.memory_space<hbm>> -> memref<10000x144xf32, #tpu.memory_space<hbm>>
    tpu.enqueue_indirect_dma source(%dma_start3A_131 : memref<10000x144xf32, #tpu.memory_space<hbm>>) target(%arg10 : memref<80x144xf32, #tpu.memory_space<vmem>>) offsets(%arg6 : memref<80xi32, #tpu.memory_space<vmem>>) semaphore(%arg13 : memref<!tpu.dma_semaphore, #tpu.memory_space<semaphore_mem>>)
    %get3A_132 = arith.constant 1 : i32
    %get3A_133 = arith.index_cast %get3A_132 : i32 to index
    %get3A_134 = arith.constant 0 : index
    %get3A_135 = tpu.vector_load %arg5[%get3A_133, %get3A_134] {strides = array<i32>} : memref<125x80xi32, #tpu.memory_space<vmem>>, vector<1x16xi32>,
    %get3A_136 = vector.shape_cast %get3A_135 : vector<1x16xi32> to vector<16xi32>
    %shift_right_logical3A_137 = arith.constant 16 : i32
    %shift_right_logical3A_138 = vector.broadcast %shift_right_logical3A_137 : i32 to vector<16xi32>
    %shift_right_logical3A_139 = arith.shrui %get3A_136, %shift_right_logical3A_138 : vector<16xi32>
    %swap3A_140 = arith.constant 0 : index
    %swap3A_141 = tpu.vector_load %arg8[%swap3A_140] {strides = array<i32>} : memref<80xi32, #tpu.memory_space<vmem>>, vector<16xi32>,
    %swap3A_142 = vector.shape_cast %swap3A_141 : vector<16xi32> to vector<16xi32>
    %swap3A_143 = vector.shape_cast %shift_right_logical3A_139 : vector<16xi32> to vector<16xi32>
    tpu.vector_store %arg8[%swap3A_140], %swap3A_143 {strides = array<i32>} : memref<80xi32, #tpu.memory_space<vmem>>, vector<16xi32>,
    %and3A_144 = arith.constant 65535 : i32
    %and3A_145 = vector.broadcast %and3A_144 : i32 to vector<16xi32>
    %and3A_146 = arith.andi %get3A_136, %and3A_145 : vector<16xi32>
    %swap3A_147 = arith.constant 0 : index
    %swap3A_148 = tpu.vector_load %arg9[%swap3A_147] {strides = array<i32>} : memref<80xi32, #tpu.memory_space<vmem>>, vector<16xi32>,
    %swap3A_149 = vector.shape_cast %swap3A_148 : vector<16xi32> to vector<16xi32>
    %swap3A_150 = vector.shape_cast %and3A_146 : vector<16xi32> to vector<16xi32>
    tpu.vector_store %arg9[%swap3A_147], %swap3A_150 {strides = array<i32>} : memref<80xi32, #tpu.memory_space<vmem>>, vector<16xi32>,
    %get3A_151 = arith.constant 1 : i32
    %get3A_152 = arith.index_cast %get3A_151 : i32 to index
    %get3A_153 = arith.constant 16 : index
    %get3A_154 = tpu.vector_load %arg5[%get3A_152, %get3A_153] {strides = array<i32>} : memref<125x80xi32, #tpu.memory_space<vmem>>, vector<1x16xi32>,
    %get3A_155 = vector.shape_cast %get3A_154 : vector<1x16xi32> to vector<16xi32>
    %shift_right_logical3A_156 = arith.constant 16 : i32
    %shift_right_logical3A_157 = vector.broadcast %shift_right_logical3A_156 : i32 to vector<16xi32>
    %shift_right_logical3A_158 = arith.shrui %get3A_155, %shift_right_logical3A_157 : vector<16xi32>
    %swap3A_159 = arith.constant 16 : index
    %swap3A_160 = tpu.vector_load %arg8[%swap3A_159] {strides = array<i32>} : memref<80xi32, #tpu.memory_space<vmem>>, vector<16xi32>,
    %swap3A_161 = vector.shape_cast %swap3A_160 : vector<16xi32> to vector<16xi32>
    %swap3A_162 = vector.shape_cast %shift_right_logical3A_158 : vector<16xi32> to vector<16xi32>
    tpu.vector_store %arg8[%swap3A_159], %swap3A_162 {strides = array<i32>} : memref<80xi32, #tpu.memory_space<vmem>>, vector<16xi32>,
    %and3A_163 = arith.constant 65535 : i32
    %and3A_164 = vector.broadcast %and3A_163 : i32 to vector<16xi32>
    %and3A_165 = arith.andi %get3A_155, %and3A_164 : vector<16xi32>
    %swap3A_166 = arith.constant 16 : index
    %swap3A_167 = tpu.vector_load %arg9[%swap3A_166] {strides = array<i32>} : memref<80xi32, #tpu.memory_space<vmem>>, vector<16xi32>,
    %swap3A_168 = vector.shape_cast %swap3A_167 : vector<16xi32> to vector<16xi32>
    %swap3A_169 = vector.shape_cast %and3A_165 : vector<16xi32> to vector<16xi32>
    tpu.vector_store %arg9[%swap3A_166], %swap3A_169 {strides = array<i32>} : memref<80xi32, #tpu.memory_space<vmem>>, vector<16xi32>,
    %get3A_170 = arith.constant 1 : i32
    %get3A_171 = arith.index_cast %get3A_170 : i32 to index
    %get3A_172 = arith.constant 32 : index
    %get3A_173 = tpu.vector_load %arg5[%get3A_171, %get3A_172] {strides = array<i32>} : memref<125x80xi32, #tpu.memory_space<vmem>>, vector<1x16xi32>,
    %get3A_174 = vector.shape_cast %get3A_173 : vector<1x16xi32> to vector<16xi32>
    %shift_right_logical3A_175 = arith.constant 16 : i32
    %shift_right_logical3A_176 = vector.broadcast %shift_right_logical3A_175 : i32 to vector<16xi32>
    %shift_right_logical3A_177 = arith.shrui %get3A_174, %shift_right_logical3A_176 : vector<16xi32>
    %swap3A_178 = arith.constant 32 : index
    %swap3A_179 = tpu.vector_load %arg8[%swap3A_178] {strides = array<i32>} : memref<80xi32, #tpu.memory_space<vmem>>, vector<16xi32>,
    %swap3A_180 = vector.shape_cast %swap3A_179 : vector<16xi32> to vector<16xi32>
    %swap3A_181 = vector.shape_cast %shift_right_logical3A_177 : vector<16xi32> to vector<16xi32>
    tpu.vector_store %arg8[%swap3A_178], %swap3A_181 {strides = array<i32>} : memref<80xi32, #tpu.memory_space<vmem>>, vector<16xi32>,
    %and3A_182 = arith.constant 65535 : i32
    %and3A_183 = vector.broadcast %and3A_182 : i32 to vector<16xi32>
    %and3A_184 = arith.andi %get3A_174, %and3A_183 : vector<16xi32>
    %swap3A_185 = arith.constant 32 : index
    %swap3A_186 = tpu.vector_load %arg9[%swap3A_185] {strides = array<i32>} : memref<80xi32, #tpu.memory_space<vmem>>, vector<16xi32>,
    %swap3A_187 = vector.shape_cast %swap3A_186 : vector<16xi32> to vector<16xi32>
    %swap3A_188 = vector.shape_cast %and3A_184 : vector<16xi32> to vector<16xi32>
    tpu.vector_store %arg9[%swap3A_185], %swap3A_188 {strides = array<i32>} : memref<80xi32, #tpu.memory_space<vmem>>, vector<16xi32>,
    %get3A_189 = arith.constant 1 : i32
    %get3A_190 = arith.index_cast %get3A_189 : i32 to index
    %get3A_191 = arith.constant 48 : index
    %get3A_192 = tpu.vector_load %arg5[%get3A_190, %get3A_191] {strides = array<i32>} : memref<125x80xi32, #tpu.memory_space<vmem>>, vector<1x16xi32>,
    %get3A_193 = vector.shape_cast %get3A_192 : vector<1x16xi32> to vector<16xi32>
    %shift_right_logical3A_194 = arith.constant 16 : i32
    %shift_right_logical3A_195 = vector.broadcast %shift_right_logical3A_194 : i32 to vector<16xi32>
    %shift_right_logical3A_196 = arith.shrui %get3A_193, %shift_right_logical3A_195 : vector<16xi32>
    %swap3A_197 = arith.constant 48 : index
    %swap3A_198 = tpu.vector_load %arg8[%swap3A_197] {strides = array<i32>} : memref<80xi32, #tpu.memory_space<vmem>>, vector<16xi32>,
    %swap3A_199 = vector.shape_cast %swap3A_198 : vector<16xi32> to vector<16xi32>
    %swap3A_200 = vector.shape_cast %shift_right_logical3A_196 : vector<16xi32> to vector<16xi32>
    tpu.vector_store %arg8[%swap3A_197], %swap3A_200 {strides = array<i32>} : memref<80xi32, #tpu.memory_space<vmem>>, vector<16xi32>,
    %and3A_201 = arith.constant 65535 : i32
    %and3A_202 = vector.broadcast %and3A_201 : i32 to vector<16xi32>
    %and3A_203 = arith.andi %get3A_193, %and3A_202 : vector<16xi32>
    %swap3A_204 = arith.constant 48 : index
    %swap3A_205 = tpu.vector_load %arg9[%swap3A_204] {strides = array<i32>} : memref<80xi32, #tpu.memory_space<vmem>>, vector<16xi32>,
    %swap3A_206 = vector.shape_cast %swap3A_205 : vector<16xi32> to vector<16xi32>
    %swap3A_207 = vector.shape_cast %and3A_203 : vector<16xi32> to vector<16xi32>
    tpu.vector_store %arg9[%swap3A_204], %swap3A_207 {strides = array<i32>} : memref<80xi32, #tpu.memory_space<vmem>>, vector<16xi32>,
    %get3A_208 = arith.constant 1 : i32
    %get3A_209 = arith.index_cast %get3A_208 : i32 to index
    %get3A_210 = arith.constant 64 : index
    %get3A_211 = tpu.vector_load %arg5[%get3A_209, %get3A_210] {strides = array<i32>} : memref<125x80xi32, #tpu.memory_space<vmem>>, vector<1x16xi32>,
    %get3A_212 = vector.shape_cast %get3A_211 : vector<1x16xi32> to vector<16xi32>
    %shift_right_logical3A_213 = arith.constant 16 : i32
    %shift_right_logical3A_214 = vector.broadcast %shift_right_logical3A_213 : i32 to vector<16xi32>
    %shift_right_logical3A_215 = arith.shrui %get3A_212, %shift_right_logical3A_214 : vector<16xi32>
    %swap3A_216 = arith.constant 64 : index
    %swap3A_217 = tpu.vector_load %arg8[%swap3A_216] {strides = array<i32>} : memref<80xi32, #tpu.memory_space<vmem>>, vector<16xi32>,
    %swap3A_218 = vector.shape_cast %swap3A_217 : vector<16xi32> to vector<16xi32>
    %swap3A_219 = vector.shape_cast %shift_right_logical3A_215 : vector<16xi32> to vector<16xi32>
    tpu.vector_store %arg8[%swap3A_216], %swap3A_219 {strides = array<i32>} : memref<80xi32, #tpu.memory_space<vmem>>, vector<16xi32>,
    %and3A_220 = arith.constant 65535 : i32
    %and3A_221 = vector.broadcast %and3A_220 : i32 to vector<16xi32>
    %and3A_222 = arith.andi %get3A_212, %and3A_221 : vector<16xi32>
    %swap3A_223 = arith.constant 64 : index
    %swap3A_224 = tpu.vector_load %arg9[%swap3A_223] {strides = array<i32>} : memref<80xi32, #tpu.memory_space<vmem>>, vector<16xi32>,
    %swap3A_225 = vector.shape_cast %swap3A_224 : vector<16xi32> to vector<16xi32>
    %swap3A_226 = vector.shape_cast %and3A_222 : vector<16xi32> to vector<16xi32>
    tpu.vector_store %arg9[%swap3A_223], %swap3A_226 {strides = array<i32>} : memref<80xi32, #tpu.memory_space<vmem>>, vector<16xi32>,
    %dma_start3A_227 = arith.constant 0 : i32
    %dma_start3A_228 = arith.constant 0 : i32
    %dma_start3A_229 = tpu.memref_slice %arg2[%dma_start3A_227, %dma_start3A_228] : memref<10000x144xf32, #tpu.memory_space<hbm>> -> memref<10000x144xf32, #tpu.memory_space<hbm>>
    tpu.enqueue_indirect_dma source(%dma_start3A_229 : memref<10000x144xf32, #tpu.memory_space<hbm>>) target(%arg11 : memref<80x144xf32, #tpu.memory_space<vmem>>) offsets(%arg8 : memref<80xi32, #tpu.memory_space<vmem>>) semaphore(%arg14 : memref<!tpu.dma_semaphore, #tpu.memory_space<semaphore_mem>>)
    %scan3A_230 = arith.constant 0 : i32
    %scan3A_231 = arith.constant 0 : i32
    %scan3A_232 = arith.constant 61 : i32
    %scan3A_233 = arith.addi %scan3A_231, %scan3A_232 : i32
    %scan3A_234 = arith.constant 1 : i32
    scf.for %scan3A_365 = %scan3A_231 to %scan3A_233 step %scan3A_234  : i32 {
      %mul3A_366 = arith.constant 2 : i32
      %mul3A_367 = arith.muli %mul3A_366, %scan3A_365 : i32
      %dma_wait3A_368 = arith.constant 0 : i32
      %dma_wait3A_369 = arith.constant 0 : i32
      %dma_wait3A_370 = tpu.memref_slice %arg2[%dma_wait3A_368, %dma_wait3A_369] : memref<10000x144xf32, #tpu.memory_space<hbm>> -> memref<10000x144xf32, #tpu.memory_space<hbm>>
      tpu.wait_indirect_dma semaphore(%arg13 : memref<!tpu.dma_semaphore, #tpu.memory_space<semaphore_mem>>) src(%dma_wait3A_370 : memref<10000x144xf32, #tpu.memory_space<hbm>>) dst(%arg10 : memref<80x144xf32, #tpu.memory_space<vmem>>)
      %dma_start3A_371 = arith.constant 0 : i32
      %dma_start3A_372 = arith.constant 0 : i32
      %dma_start3A_373 = tpu.memref_slice %arg12[%dma_start3A_371, %dma_start3A_372] : memref<10000x144xf32, #tpu.memory_space<vmem_shared>> -> memref<10000x144xf32, #tpu.memory_space<vmem_shared>>
      tpu.enqueue_indirect_dma source(%arg10 : memref<80x144xf32, #tpu.memory_space<vmem>>) target(%dma_start3A_373 : memref<10000x144xf32, #tpu.memory_space<vmem_shared>>) offsets(%arg7 : memref<80xi32, #tpu.memory_space<vmem>>) semaphore(%arg15 : memref<!tpu.dma_semaphore, #tpu.memory_space<semaphore_mem>>) {add = true}
      %dma_wait3A_374 = arith.constant 0 : i32
      %dma_wait3A_375 = arith.constant 0 : i32
      %dma_wait3A_376 = tpu.memref_slice %arg12[%dma_wait3A_374, %dma_wait3A_375] : memref<10000x144xf32, #tpu.memory_space<vmem_shared>> -> memref<10000x144xf32, #tpu.memory_space<vmem_shared>>
      tpu.wait_indirect_dma semaphore(%arg15 : memref<!tpu.dma_semaphore, #tpu.memory_space<semaphore_mem>>) src(%arg10 : memref<80x144xf32, #tpu.memory_space<vmem>>) dst(%dma_wait3A_376 : memref<10000x144xf32, #tpu.memory_space<vmem_shared>>)
      %add3A_377 = arith.constant 2 : i32
      %add3A_378 = arith.addi %mul3A_367, %add3A_377 : i32
      %get3A_379 = arith.index_cast %add3A_378 : i32 to index
      %get3A_380 = arith.constant 0 : index
      %get3A_381 = tpu.vector_load %arg5[%get3A_379, %get3A_380] {strides = array<i32>} : memref<125x80xi32, #tpu.memory_space<vmem>>, vector<1x16xi32>,
      %get3A_382 = vector.shape_cast %get3A_381 : vector<1x16xi32> to vector<16xi32>
      %shift_right_logical3A_383 = arith.constant 16 : i32
      %shift_right_logical3A_384 = vector.broadcast %shift_right_logical3A_383 : i32 to vector<16xi32>
      %shift_right_logical3A_385 = arith.shrui %get3A_382, %shift_right_logical3A_384 : vector<16xi32>
      %swap3A_386 = arith.constant 0 : index
      %swap3A_387 = tpu.vector_load %arg6[%swap3A_386] {strides = array<i32>} : memref<80xi32, #tpu.memory_space<vmem>>, vector<16xi32>,
      %swap3A_388 = vector.shape_cast %swap3A_387 : vector<16xi32> to vector<16xi32>
      %swap3A_389 = vector.shape_cast %shift_right_logical3A_385 : vector<16xi32> to vector<16xi32>
      tpu.vector_store %arg6[%swap3A_386], %swap3A_389 {strides = array<i32>} : memref<80xi32, #tpu.memory_space<vmem>>, vector<16xi32>,
      %and3A_390 = arith.constant 65535 : i32
      %and3A_391 = vector.broadcast %and3A_390 : i32 to vector<16xi32>
      %and3A_392 = arith.andi %get3A_382, %and3A_391 : vector<16xi32>
      %swap3A_393 = arith.constant 0 : index
      %swap3A_394 = tpu.vector_load %arg7[%swap3A_393] {strides = array<i32>} : memref<80xi32, #tpu.memory_space<vmem>>, vector<16xi32>,
      %swap3A_395 = vector.shape_cast %swap3A_394 : vector<16xi32> to vector<16xi32>
      %swap3A_396 = vector.shape_cast %and3A_392 : vector<16xi32> to vector<16xi32>
      tpu.vector_store %arg7[%swap3A_393], %swap3A_396 {strides = array<i32>} : memref<80xi32, #tpu.memory_space<vmem>>, vector<16xi32>,
      %get3A_397 = arith.index_cast %add3A_378 : i32 to index
      %get3A_398 = arith.constant 16 : index
      %get3A_399 = tpu.vector_load %arg5[%get3A_397, %get3A_398] {strides = array<i32>} : memref<125x80xi32, #tpu.memory_space<vmem>>, vector<1x16xi32>,
      %get3A_400 = vector.shape_cast %get3A_399 : vector<1x16xi32> to vector<16xi32>
      %shift_right_logical3A_401 = arith.constant 16 : i32
      %shift_right_logical3A_402 = vector.broadcast %shift_right_logical3A_401 : i32 to vector<16xi32>
      %shift_right_logical3A_403 = arith.shrui %get3A_400, %shift_right_logical3A_402 : vector<16xi32>
      %swap3A_404 = arith.constant 16 : index
      %swap3A_405 = tpu.vector_load %arg6[%swap3A_404] {strides = array<i32>} : memref<80xi32, #tpu.memory_space<vmem>>, vector<16xi32>,
      %swap3A_406 = vector.shape_cast %swap3A_405 : vector<16xi32> to vector<16xi32>
      %swap3A_407 = vector.shape_cast %shift_right_logical3A_403 : vector<16xi32> to vector<16xi32>
      tpu.vector_store %arg6[%swap3A_404], %swap3A_407 {strides = array<i32>} : memref<80xi32, #tpu.memory_space<vmem>>, vector<16xi32>,
      %and3A_408 = arith.constant 65535 : i32
      %and3A_409 = vector.broadcast %and3A_408 : i32 to vector<16xi32>
      %and3A_410 = arith.andi %get3A_400, %and3A_409 : vector<16xi32>
      %swap3A_411 = arith.constant 16 : index
      %swap3A_412 = tpu.vector_load %arg7[%swap3A_411] {strides = array<i32>} : memref<80xi32, #tpu.memory_space<vmem>>, vector<16xi32>,
      %swap3A_413 = vector.shape_cast %swap3A_412 : vector<16xi32> to vector<16xi32>
      %swap3A_414 = vector.shape_cast %and3A_410 : vector<16xi32> to vector<16xi32>
      tpu.vector_store %arg7[%swap3A_411], %swap3A_414 {strides = array<i32>} : memref<80xi32, #tpu.memory_space<vmem>>, vector<16xi32>,
      %get3A_415 = arith.index_cast %add3A_378 : i32 to index
      %get3A_416 = arith.constant 32 : index
      %get3A_417 = tpu.vector_load %arg5[%get3A_415, %get3A_416] {strides = array<i32>} : memref<125x80xi32, #tpu.memory_space<vmem>>, vector<1x16xi32>,
      %get3A_418 = vector.shape_cast %get3A_417 : vector<1x16xi32> to vector<16xi32>
      %shift_right_logical3A_419 = arith.constant 16 : i32
      %shift_right_logical3A_420 = vector.broadcast %shift_right_logical3A_419 : i32 to vector<16xi32>
      %shift_right_logical3A_421 = arith.shrui %get3A_418, %shift_right_logical3A_420 : vector<16xi32>
      %swap3A_422 = arith.constant 32 : index
      %swap3A_423 = tpu.vector_load %arg6[%swap3A_422] {strides = array<i32>} : memref<80xi32, #tpu.memory_space<vmem>>, vector<16xi32>,
      %swap3A_424 = vector.shape_cast %swap3A_423 : vector<16xi32> to vector<16xi32>
      %swap3A_425 = vector.shape_cast %shift_right_logical3A_421 : vector<16xi32> to vector<16xi32>
      tpu.vector_store %arg6[%swap3A_422], %swap3A_425 {strides = array<i32>} : memref<80xi32, #tpu.memory_space<vmem>>, vector<16xi32>,
      %and3A_426 = arith.constant 65535 : i32
      %and3A_427 = vector.broadcast %and3A_426 : i32 to vector<16xi32>
      %and3A_428 = arith.andi %get3A_418, %and3A_427 : vector<16xi32>
      %swap3A_429 = arith.constant 32 : index
      %swap3A_430 = tpu.vector_load %arg7[%swap3A_429] {strides = array<i32>} : memref<80xi32, #tpu.memory_space<vmem>>, vector<16xi32>,
      %swap3A_431 = vector.shape_cast %swap3A_430 : vector<16xi32> to vector<16xi32>
      %swap3A_432 = vector.shape_cast %and3A_428 : vector<16xi32> to vector<16xi32>
      tpu.vector_store %arg7[%swap3A_429], %swap3A_432 {strides = array<i32>} : memref<80xi32, #tpu.memory_space<vmem>>, vector<16xi32>,
      %get3A_433 = arith.index_cast %add3A_378 : i32 to index
      %get3A_434 = arith.constant 48 : index
      %get3A_435 = tpu.vector_load %arg5[%get3A_433, %get3A_434] {strides = array<i32>} : memref<125x80xi32, #tpu.memory_space<vmem>>, vector<1x16xi32>,
      %get3A_436 = vector.shape_cast %get3A_435 : vector<1x16xi32> to vector<16xi32>
      %shift_right_logical3A_437 = arith.constant 16 : i32
      %shift_right_logical3A_438 = vector.broadcast %shift_right_logical3A_437 : i32 to vector<16xi32>
      %shift_right_logical3A_439 = arith.shrui %get3A_436, %shift_right_logical3A_438 : vector<16xi32>
      %swap3A_440 = arith.constant 48 : index
      %swap3A_441 = tpu.vector_load %arg6[%swap3A_440] {strides = array<i32>} : memref<80xi32, #tpu.memory_space<vmem>>, vector<16xi32>,
      %swap3A_442 = vector.shape_cast %swap3A_441 : vector<16xi32> to vector<16xi32>
      %swap3A_443 = vector.shape_cast %shift_right_logical3A_439 : vector<16xi32> to vector<16xi32>
      tpu.vector_store %arg6[%swap3A_440], %swap3A_443 {strides = array<i32>} : memref<80xi32, #tpu.memory_space<vmem>>, vector<16xi32>,
      %and3A_444 = arith.constant 65535 : i32
      %and3A_445 = vector.broadcast %and3A_444 : i32 to vector<16xi32>
      %and3A_446 = arith.andi %get3A_436, %and3A_445 : vector<16xi32>
      %swap3A_447 = arith.constant 48 : index
      %swap3A_448 = tpu.vector_load %arg7[%swap3A_447] {strides = array<i32>} : memref<80xi32, #tpu.memory_space<vmem>>, vector<16xi32>,
      %swap3A_449 = vector.shape_cast %swap3A_448 : vector<16xi32> to vector<16xi32>
      %swap3A_450 = vector.shape_cast %and3A_446 : vector<16xi32> to vector<16xi32>
      tpu.vector_store %arg7[%swap3A_447], %swap3A_450 {strides = array<i32>} : memref<80xi32, #tpu.memory_space<vmem>>, vector<16xi32>,
      %get3A_451 = arith.index_cast %add3A_378 : i32 to index
      %get3A_452 = arith.constant 64 : index
      %get3A_453 = tpu.vector_load %arg5[%get3A_451, %get3A_452] {strides = array<i32>} : memref<125x80xi32, #tpu.memory_space<vmem>>, vector<1x16xi32>,
      %get3A_454 = vector.shape_cast %get3A_453 : vector<1x16xi32> to vector<16xi32>
      %shift_right_logical3A_455 = arith.constant 16 : i32
      %shift_right_logical3A_456 = vector.broadcast %shift_right_logical3A_455 : i32 to vector<16xi32>
      %shift_right_logical3A_457 = arith.shrui %get3A_454, %shift_right_logical3A_456 : vector<16xi32>
      %swap3A_458 = arith.constant 64 : index
      %swap3A_459 = tpu.vector_load %arg6[%swap3A_458] {strides = array<i32>} : memref<80xi32, #tpu.memory_space<vmem>>, vector<16xi32>,
      %swap3A_460 = vector.shape_cast %swap3A_459 : vector<16xi32> to vector<16xi32>
      %swap3A_461 = vector.shape_cast %shift_right_logical3A_457 : vector<16xi32> to vector<16xi32>
      tpu.vector_store %arg6[%swap3A_458], %swap3A_461 {strides = array<i32>} : memref<80xi32, #tpu.memory_space<vmem>>, vector<16xi32>,
      %and3A_462 = arith.constant 65535 : i32
      %and3A_463 = vector.broadcast %and3A_462 : i32 to vector<16xi32>
      %and3A_464 = arith.andi %get3A_454, %and3A_463 : vector<16xi32>
      %swap3A_465 = arith.constant 64 : index
      %swap3A_466 = tpu.vector_load %arg7[%swap3A_465] {strides = array<i32>} : memref<80xi32, #tpu.memory_space<vmem>>, vector<16xi32>,
      %swap3A_467 = vector.shape_cast %swap3A_466 : vector<16xi32> to vector<16xi32>
      %swap3A_468 = vector.shape_cast %and3A_464 : vector<16xi32> to vector<16xi32>
      tpu.vector_store %arg7[%swap3A_465], %swap3A_468 {strides = array<i32>} : memref<80xi32, #tpu.memory_space<vmem>>, vector<16xi32>,
      %add3A_469 = arith.constant 2 : i32
      %add3A_470 = arith.addi %mul3A_367, %add3A_469 : i32
      %dma_start3A_471 = arith.constant 0 : i32
      %dma_start3A_472 = arith.constant 0 : i32
      %dma_start3A_473 = tpu.memref_slice %arg2[%dma_start3A_471, %dma_start3A_472] : memref<10000x144xf32, #tpu.memory_space<hbm>> -> memref<10000x144xf32, #tpu.memory_space<hbm>>
      tpu.enqueue_indirect_dma source(%dma_start3A_473 : memref<10000x144xf32, #tpu.memory_space<hbm>>) target(%arg10 : memref<80x144xf32, #tpu.memory_space<vmem>>) offsets(%arg6 : memref<80xi32, #tpu.memory_space<vmem>>) semaphore(%arg13 : memref<!tpu.dma_semaphore, #tpu.memory_space<semaphore_mem>>)
      %dma_wait3A_474 = arith.constant 0 : i32
      %dma_wait3A_475 = arith.constant 0 : i32
      %dma_wait3A_476 = tpu.memref_slice %arg2[%dma_wait3A_474, %dma_wait3A_475] : memref<10000x144xf32, #tpu.memory_space<hbm>> -> memref<10000x144xf32, #tpu.memory_space<hbm>>
      tpu.wait_indirect_dma semaphore(%arg14 : memref<!tpu.dma_semaphore, #tpu.memory_space<semaphore_mem>>) src(%dma_wait3A_476 : memref<10000x144xf32, #tpu.memory_space<hbm>>) dst(%arg11 : memref<80x144xf32, #tpu.memory_space<vmem>>)
      %dma_start3A_477 = arith.constant 0 : i32
      %dma_start3A_478 = arith.constant 0 : i32
      %dma_start3A_479 = tpu.memref_slice %arg12[%dma_start3A_477, %dma_start3A_478] : memref<10000x144xf32, #tpu.memory_space<vmem_shared>> -> memref<10000x144xf32, #tpu.memory_space<vmem_shared>>
      tpu.enqueue_indirect_dma source(%arg11 : memref<80x144xf32, #tpu.memory_space<vmem>>) target(%dma_start3A_479 : memref<10000x144xf32, #tpu.memory_space<vmem_shared>>) offsets(%arg9 : memref<80xi32, #tpu.memory_space<vmem>>) semaphore(%arg16 : memref<!tpu.dma_semaphore, #tpu.memory_space<semaphore_mem>>) {add = true}
      %dma_wait3A_480 = arith.constant 0 : i32
      %dma_wait3A_481 = arith.constant 0 : i32
      %dma_wait3A_482 = tpu.memref_slice %arg12[%dma_wait3A_480, %dma_wait3A_481] : memref<10000x144xf32, #tpu.memory_space<vmem_shared>> -> memref<10000x144xf32, #tpu.memory_space<vmem_shared>>
      tpu.wait_indirect_dma semaphore(%arg16 : memref<!tpu.dma_semaphore, #tpu.memory_space<semaphore_mem>>) src(%arg11 : memref<80x144xf32, #tpu.memory_space<vmem>>) dst(%dma_wait3A_482 : memref<10000x144xf32, #tpu.memory_space<vmem_shared>>)
      %add3A_483 = arith.constant 3 : i32
      %add3A_484 = arith.addi %mul3A_367, %add3A_483 : i32
      %get3A_485 = arith.index_cast %add3A_484 : i32 to index
      %get3A_486 = arith.constant 0 : index
      %get3A_487 = tpu.vector_load %arg5[%get3A_485, %get3A_486] {strides = array<i32>} : memref<125x80xi32, #tpu.memory_space<vmem>>, vector<1x16xi32>,
      %get3A_488 = vector.shape_cast %get3A_487 : vector<1x16xi32> to vector<16xi32>
      %shift_right_logical3A_489 = arith.constant 16 : i32
      %shift_right_logical3A_490 = vector.broadcast %shift_right_logical3A_489 : i32 to vector<16xi32>
      %shift_right_logical3A_491 = arith.shrui %get3A_488, %shift_right_logical3A_490 : vector<16xi32>
      %swap3A_492 = arith.constant 0 : index
      %swap3A_493 = tpu.vector_load %arg8[%swap3A_492] {strides = array<i32>} : memref<80xi32, #tpu.memory_space<vmem>>, vector<16xi32>,
      %swap3A_494 = vector.shape_cast %swap3A_493 : vector<16xi32> to vector<16xi32>
      %swap3A_495 = vector.shape_cast %shift_right_logical3A_491 : vector<16xi32> to vector<16xi32>
      tpu.vector_store %arg8[%swap3A_492], %swap3A_495 {strides = array<i32>} : memref<80xi32, #tpu.memory_space<vmem>>, vector<16xi32>,
      %and3A_496 = arith.constant 65535 : i32
      %and3A_497 = vector.broadcast %and3A_496 : i32 to vector<16xi32>
      %and3A_498 = arith.andi %get3A_488, %and3A_497 : vector<16xi32>
      %swap3A_499 = arith.constant 0 : index
      %swap3A_500 = tpu.vector_load %arg9[%swap3A_499] {strides = array<i32>} : memref<80xi32, #tpu.memory_space<vmem>>, vector<16xi32>,
      %swap3A_501 = vector.shape_cast %swap3A_500 : vector<16xi32> to vector<16xi32>
      %swap3A_502 = vector.shape_cast %and3A_498 : vector<16xi32> to vector<16xi32>
      tpu.vector_store %arg9[%swap3A_499], %swap3A_502 {strides = array<i32>} : memref<80xi32, #tpu.memory_space<vmem>>, vector<16xi32>,
      %get3A_503 = arith.index_cast %add3A_484 : i32 to index
      %get3A_504 = arith.constant 16 : index
      %get3A_505 = tpu.vector_load %arg5[%get3A_503, %get3A_504] {strides = array<i32>} : memref<125x80xi32, #tpu.memory_space<vmem>>, vector<1x16xi32>,
      %get3A_506 = vector.shape_cast %get3A_505 : vector<1x16xi32> to vector<16xi32>
      %shift_right_logical3A_507 = arith.constant 16 : i32
      %shift_right_logical3A_508 = vector.broadcast %shift_right_logical3A_507 : i32 to vector<16xi32>
      %shift_right_logical3A_509 = arith.shrui %get3A_506, %shift_right_logical3A_508 : vector<16xi32>
      %swap3A_510 = arith.constant 16 : index
      %swap3A_511 = tpu.vector_load %arg8[%swap3A_510] {strides = array<i32>} : memref<80xi32, #tpu.memory_space<vmem>>, vector<16xi32>,
      %swap3A_512 = vector.shape_cast %swap3A_511 : vector<16xi32> to vector<16xi32>
      %swap3A_513 = vector.shape_cast %shift_right_logical3A_509 : vector<16xi32> to vector<16xi32>
      tpu.vector_store %arg8[%swap3A_510], %swap3A_513 {strides = array<i32>} : memref<80xi32, #tpu.memory_space<vmem>>, vector<16xi32>,
      %and3A_514 = arith.constant 65535 : i32
      %and3A_515 = vector.broadcast %and3A_514 : i32 to vector<16xi32>
      %and3A_516 = arith.andi %get3A_506, %and3A_515 : vector<16xi32>
      %swap3A_517 = arith.constant 16 : index
      %swap3A_518 = tpu.vector_load %arg9[%swap3A_517] {strides = array<i32>} : memref<80xi32, #tpu.memory_space<vmem>>, vector<16xi32>,
      %swap3A_519 = vector.shape_cast %swap3A_518 : vector<16xi32> to vector<16xi32>
      %swap3A_520 = vector.shape_cast %and3A_516 : vector<16xi32> to vector<16xi32>
      tpu.vector_store %arg9[%swap3A_517], %swap3A_520 {strides = array<i32>} : memref<80xi32, #tpu.memory_space<vmem>>, vector<16xi32>,
      %get3A_521 = arith.index_cast %add3A_484 : i32 to index
      %get3A_522 = arith.constant 32 : index
      %get3A_523 = tpu.vector_load %arg5[%get3A_521, %get3A_522] {strides = array<i32>} : memref<125x80xi32, #tpu.memory_space<vmem>>, vector<1x16xi32>,
      %get3A_524 = vector.shape_cast %get3A_523 : vector<1x16xi32> to vector<16xi32>
      %shift_right_logical3A_525 = arith.constant 16 : i32
      %shift_right_logical3A_526 = vector.broadcast %shift_right_logical3A_525 : i32 to vector<16xi32>
      %shift_right_logical3A_527 = arith.shrui %get3A_524, %shift_right_logical3A_526 : vector<16xi32>
      %swap3A_528 = arith.constant 32 : index
      %swap3A_529 = tpu.vector_load %arg8[%swap3A_528] {strides = array<i32>} : memref<80xi32, #tpu.memory_space<vmem>>, vector<16xi32>,
      %swap3A_530 = vector.shape_cast %swap3A_529 : vector<16xi32> to vector<16xi32>
      %swap3A_531 = vector.shape_cast %shift_right_logical3A_527 : vector<16xi32> to vector<16xi32>
      tpu.vector_store %arg8[%swap3A_528], %swap3A_531 {strides = array<i32>} : memref<80xi32, #tpu.memory_space<vmem>>, vector<16xi32>,
      %and3A_532 = arith.constant 65535 : i32
      %and3A_533 = vector.broadcast %and3A_532 : i32 to vector<16xi32>
      %and3A_534 = arith.andi %get3A_524, %and3A_533 : vector<16xi32>
      %swap3A_535 = arith.constant 32 : index
      %swap3A_536 = tpu.vector_load %arg9[%swap3A_535] {strides = array<i32>} : memref<80xi32, #tpu.memory_space<vmem>>, vector<16xi32>,
      %swap3A_537 = vector.shape_cast %swap3A_536 : vector<16xi32> to vector<16xi32>
      %swap3A_538 = vector.shape_cast %and3A_534 : vector<16xi32> to vector<16xi32>
      tpu.vector_store %arg9[%swap3A_535], %swap3A_538 {strides = array<i32>} : memref<80xi32, #tpu.memory_space<vmem>>, vector<16xi32>,
      %get3A_539 = arith.index_cast %add3A_484 : i32 to index
      %get3A_540 = arith.constant 48 : index
      %get3A_541 = tpu.vector_load %arg5[%get3A_539, %get3A_540] {strides = array<i32>} : memref<125x80xi32, #tpu.memory_space<vmem>>, vector<1x16xi32>,
      %get3A_542 = vector.shape_cast %get3A_541 : vector<1x16xi32> to vector<16xi32>
      %shift_right_logical3A_543 = arith.constant 16 : i32
      %shift_right_logical3A_544 = vector.broadcast %shift_right_logical3A_543 : i32 to vector<16xi32>
      %shift_right_logical3A_545 = arith.shrui %get3A_542, %shift_right_logical3A_544 : vector<16xi32>
      %swap3A_546 = arith.constant 48 : index
      %swap3A_547 = tpu.vector_load %arg8[%swap3A_546] {strides = array<i32>} : memref<80xi32, #tpu.memory_space<vmem>>, vector<16xi32>,
      %swap3A_548 = vector.shape_cast %swap3A_547 : vector<16xi32> to vector<16xi32>
      %swap3A_549 = vector.shape_cast %shift_right_logical3A_545 : vector<16xi32> to vector<16xi32>
      tpu.vector_store %arg8[%swap3A_546], %swap3A_549 {strides = array<i32>} : memref<80xi32, #tpu.memory_space<vmem>>, vector<16xi32>,
      %and3A_550 = arith.constant 65535 : i32
      %and3A_551 = vector.broadcast %and3A_550 : i32 to vector<16xi32>
      %and3A_552 = arith.andi %get3A_542, %and3A_551 : vector<16xi32>
      %swap3A_553 = arith.constant 48 : index
      %swap3A_554 = tpu.vector_load %arg9[%swap3A_553] {strides = array<i32>} : memref<80xi32, #tpu.memory_space<vmem>>, vector<16xi32>,
      %swap3A_555 = vector.shape_cast %swap3A_554 : vector<16xi32> to vector<16xi32>
      %swap3A_556 = vector.shape_cast %and3A_552 : vector<16xi32> to vector<16xi32>
      tpu.vector_store %arg9[%swap3A_553], %swap3A_556 {strides = array<i32>} : memref<80xi32, #tpu.memory_space<vmem>>, vector<16xi32>,
      %get3A_557 = arith.index_cast %add3A_484 : i32 to index
      %get3A_558 = arith.constant 64 : index
      %get3A_559 = tpu.vector_load %arg5[%get3A_557, %get3A_558] {strides = array<i32>} : memref<125x80xi32, #tpu.memory_space<vmem>>, vector<1x16xi32>,
      %get3A_560 = vector.shape_cast %get3A_559 : vector<1x16xi32> to vector<16xi32>
      %shift_right_logical3A_561 = arith.constant 16 : i32
      %shift_right_logical3A_562 = vector.broadcast %shift_right_logical3A_561 : i32 to vector<16xi32>
      %shift_right_logical3A_563 = arith.shrui %get3A_560, %shift_right_logical3A_562 : vector<16xi32>
      %swap3A_564 = arith.constant 64 : index
      %swap3A_565 = tpu.vector_load %arg8[%swap3A_564] {strides = array<i32>} : memref<80xi32, #tpu.memory_space<vmem>>, vector<16xi32>,
      %swap3A_566 = vector.shape_cast %swap3A_565 : vector<16xi32> to vector<16xi32>
      %swap3A_567 = vector.shape_cast %shift_right_logical3A_563 : vector<16xi32> to vector<16xi32>
      tpu.vector_store %arg8[%swap3A_564], %swap3A_567 {strides = array<i32>} : memref<80xi32, #tpu.memory_space<vmem>>, vector<16xi32>,
      %and3A_568 = arith.constant 65535 : i32
      %and3A_569 = vector.broadcast %and3A_568 : i32 to vector<16xi32>
      %and3A_570 = arith.andi %get3A_560, %and3A_569 : vector<16xi32>
      %swap3A_571 = arith.constant 64 : index
      %swap3A_572 = tpu.vector_load %arg9[%swap3A_571] {strides = array<i32>} : memref<80xi32, #tpu.memory_space<vmem>>, vector<16xi32>,
      %swap3A_573 = vector.shape_cast %swap3A_572 : vector<16xi32> to vector<16xi32>
      %swap3A_574 = vector.shape_cast %and3A_570 : vector<16xi32> to vector<16xi32>
      tpu.vector_store %arg9[%swap3A_571], %swap3A_574 {strides = array<i32>} : memref<80xi32, #tpu.memory_space<vmem>>, vector<16xi32>,
      %add3A_575 = arith.constant 3 : i32
      %add3A_576 = arith.addi %mul3A_367, %add3A_575 : i32
      %dma_start3A_577 = arith.constant 0 : i32
      %dma_start3A_578 = arith.constant 0 : i32
      %dma_start3A_579 = tpu.memref_slice %arg2[%dma_start3A_577, %dma_start3A_578] : memref<10000x144xf32, #tpu.memory_space<hbm>> -> memref<10000x144xf32, #tpu.memory_space<hbm>>
      tpu.enqueue_indirect_dma source(%dma_start3A_579 : memref<10000x144xf32, #tpu.memory_space<hbm>>) target(%arg11 : memref<80x144xf32, #tpu.memory_space<vmem>>) offsets(%arg8 : memref<80xi32, #tpu.memory_space<vmem>>) semaphore(%arg14 : memref<!tpu.dma_semaphore, #tpu.memory_space<semaphore_mem>>)
    }
    %scan3A_235 = arith.constant 61 : i32
    %dma_wait3A = arith.constant 0 : i32
    %dma_wait3A_236 = arith.constant 0 : i32
    %dma_wait3A_237 = tpu.memref_slice %arg2[%dma_wait3A, %dma_wait3A_236] : memref<10000x144xf32, #tpu.memory_space<hbm>> -> memref<10000x144xf32, #tpu.memory_space<hbm>>
    tpu.wait_indirect_dma semaphore(%arg13 : memref<!tpu.dma_semaphore, #tpu.memory_space<semaphore_mem>>) src(%dma_wait3A_237 : memref<10000x144xf32, #tpu.memory_space<hbm>>) dst(%arg10 : memref<80x144xf32, #tpu.memory_space<vmem>>)
    %dma_start3A_238 = arith.constant 0 : i32
    %dma_start3A_239 = arith.constant 0 : i32
    %dma_start3A_240 = tpu.memref_slice %arg12[%dma_start3A_238, %dma_start3A_239] : memref<10000x144xf32, #tpu.memory_space<vmem_shared>> -> memref<10000x144xf32, #tpu.memory_space<vmem_shared>>
    tpu.enqueue_indirect_dma source(%arg10 : memref<80x144xf32, #tpu.memory_space<vmem>>) target(%dma_start3A_240 : memref<10000x144xf32, #tpu.memory_space<vmem_shared>>) offsets(%arg7 : memref<80xi32, #tpu.memory_space<vmem>>) semaphore(%arg15 : memref<!tpu.dma_semaphore, #tpu.memory_space<semaphore_mem>>) {add = true}
    %dma_wait3A_241 = arith.constant 0 : i32
    %dma_wait3A_242 = arith.constant 0 : i32
    %dma_wait3A_243 = tpu.memref_slice %arg12[%dma_wait3A_241, %dma_wait3A_242] : memref<10000x144xf32, #tpu.memory_space<vmem_shared>> -> memref<10000x144xf32, #tpu.memory_space<vmem_shared>>
    tpu.wait_indirect_dma semaphore(%arg15 : memref<!tpu.dma_semaphore, #tpu.memory_space<semaphore_mem>>) src(%arg10 : memref<80x144xf32, #tpu.memory_space<vmem>>) dst(%dma_wait3A_243 : memref<10000x144xf32, #tpu.memory_space<vmem_shared>>)
    %get3A_244 = arith.constant 124 : i32
    %get3A_245 = arith.index_cast %get3A_244 : i32 to index
    %get3A_246 = arith.constant 0 : index
    %get3A_247 = tpu.vector_load %arg5[%get3A_245, %get3A_246] {strides = array<i32>} : memref<125x80xi32, #tpu.memory_space<vmem>>, vector<1x16xi32>,
    %get3A_248 = vector.shape_cast %get3A_247 : vector<1x16xi32> to vector<16xi32>
    %shift_right_logical3A_249 = arith.constant 16 : i32
    %shift_right_logical3A_250 = vector.broadcast %shift_right_logical3A_249 : i32 to vector<16xi32>
    %shift_right_logical3A_251 = arith.shrui %get3A_248, %shift_right_logical3A_250 : vector<16xi32>
    %swap3A_252 = arith.constant 0 : index
    %swap3A_253 = tpu.vector_load %arg6[%swap3A_252] {strides = array<i32>} : memref<80xi32, #tpu.memory_space<vmem>>, vector<16xi32>,
    %swap3A_254 = vector.shape_cast %swap3A_253 : vector<16xi32> to vector<16xi32>
    %swap3A_255 = vector.shape_cast %shift_right_logical3A_251 : vector<16xi32> to vector<16xi32>
    tpu.vector_store %arg6[%swap3A_252], %swap3A_255 {strides = array<i32>} : memref<80xi32, #tpu.memory_space<vmem>>, vector<16xi32>,
    %and3A_256 = arith.constant 65535 : i32
    %and3A_257 = vector.broadcast %and3A_256 : i32 to vector<16xi32>
    %and3A_258 = arith.andi %get3A_248, %and3A_257 : vector<16xi32>
    %swap3A_259 = arith.constant 0 : index
    %swap3A_260 = tpu.vector_load %arg7[%swap3A_259] {strides = array<i32>} : memref<80xi32, #tpu.memory_space<vmem>>, vector<16xi32>,
    %swap3A_261 = vector.shape_cast %swap3A_260 : vector<16xi32> to vector<16xi32>
    %swap3A_262 = vector.shape_cast %and3A_258 : vector<16xi32> to vector<16xi32>
    tpu.vector_store %arg7[%swap3A_259], %swap3A_262 {strides = array<i32>} : memref<80xi32, #tpu.memory_space<vmem>>, vector<16xi32>,
    %get3A_263 = arith.constant 124 : i32
    %get3A_264 = arith.index_cast %get3A_263 : i32 to index
    %get3A_265 = arith.constant 16 : index
    %get3A_266 = tpu.vector_load %arg5[%get3A_264, %get3A_265] {strides = array<i32>} : memref<125x80xi32, #tpu.memory_space<vmem>>, vector<1x16xi32>,
    %get3A_267 = vector.shape_cast %get3A_266 : vector<1x16xi32> to vector<16xi32>
    %shift_right_logical3A_268 = arith.constant 16 : i32
    %shift_right_logical3A_269 = vector.broadcast %shift_right_logical3A_268 : i32 to vector<16xi32>
    %shift_right_logical3A_270 = arith.shrui %get3A_267, %shift_right_logical3A_269 : vector<16xi32>
    %swap3A_271 = arith.constant 16 : index
    %swap3A_272 = tpu.vector_load %arg6[%swap3A_271] {strides = array<i32>} : memref<80xi32, #tpu.memory_space<vmem>>, vector<16xi32>,
    %swap3A_273 = vector.shape_cast %swap3A_272 : vector<16xi32> to vector<16xi32>
    %swap3A_274 = vector.shape_cast %shift_right_logical3A_270 : vector<16xi32> to vector<16xi32>
    tpu.vector_store %arg6[%swap3A_271], %swap3A_274 {strides = array<i32>} : memref<80xi32, #tpu.memory_space<vmem>>, vector<16xi32>,
    %and3A_275 = arith.constant 65535 : i32
    %and3A_276 = vector.broadcast %and3A_275 : i32 to vector<16xi32>
    %and3A_277 = arith.andi %get3A_267, %and3A_276 : vector<16xi32>
    %swap3A_278 = arith.constant 16 : index
    %swap3A_279 = tpu.vector_load %arg7[%swap3A_278] {strides = array<i32>} : memref<80xi32, #tpu.memory_space<vmem>>, vector<16xi32>,
    %swap3A_280 = vector.shape_cast %swap3A_279 : vector<16xi32> to vector<16xi32>
    %swap3A_281 = vector.shape_cast %and3A_277 : vector<16xi32> to vector<16xi32>
    tpu.vector_store %arg7[%swap3A_278], %swap3A_281 {strides = array<i32>} : memref<80xi32, #tpu.memory_space<vmem>>, vector<16xi32>,
    %get3A_282 = arith.constant 124 : i32
    %get3A_283 = arith.index_cast %get3A_282 : i32 to index
    %get3A_284 = arith.constant 32 : index
    %get3A_285 = tpu.vector_load %arg5[%get3A_283, %get3A_284] {strides = array<i32>} : memref<125x80xi32, #tpu.memory_space<vmem>>, vector<1x16xi32>,
    %get3A_286 = vector.shape_cast %get3A_285 : vector<1x16xi32> to vector<16xi32>
    %shift_right_logical3A_287 = arith.constant 16 : i32
    %shift_right_logical3A_288 = vector.broadcast %shift_right_logical3A_287 : i32 to vector<16xi32>
    %shift_right_logical3A_289 = arith.shrui %get3A_286, %shift_right_logical3A_288 : vector<16xi32>
    %swap3A_290 = arith.constant 32 : index
    %swap3A_291 = tpu.vector_load %arg6[%swap3A_290] {strides = array<i32>} : memref<80xi32, #tpu.memory_space<vmem>>, vector<16xi32>,
    %swap3A_292 = vector.shape_cast %swap3A_291 : vector<16xi32> to vector<16xi32>
    %swap3A_293 = vector.shape_cast %shift_right_logical3A_289 : vector<16xi32> to vector<16xi32>
    tpu.vector_store %arg6[%swap3A_290], %swap3A_293 {strides = array<i32>} : memref<80xi32, #tpu.memory_space<vmem>>, vector<16xi32>,
    %and3A_294 = arith.constant 65535 : i32
    %and3A_295 = vector.broadcast %and3A_294 : i32 to vector<16xi32>
    %and3A_296 = arith.andi %get3A_286, %and3A_295 : vector<16xi32>
    %swap3A_297 = arith.constant 32 : index
    %swap3A_298 = tpu.vector_load %arg7[%swap3A_297] {strides = array<i32>} : memref<80xi32, #tpu.memory_space<vmem>>, vector<16xi32>,
    %swap3A_299 = vector.shape_cast %swap3A_298 : vector<16xi32> to vector<16xi32>
    %swap3A_300 = vector.shape_cast %and3A_296 : vector<16xi32> to vector<16xi32>
    tpu.vector_store %arg7[%swap3A_297], %swap3A_300 {strides = array<i32>} : memref<80xi32, #tpu.memory_space<vmem>>, vector<16xi32>,
    %get3A_301 = arith.constant 124 : i32
    %get3A_302 = arith.index_cast %get3A_301 : i32 to index
    %get3A_303 = arith.constant 48 : index
    %get3A_304 = tpu.vector_load %arg5[%get3A_302, %get3A_303] {strides = array<i32>} : memref<125x80xi32, #tpu.memory_space<vmem>>, vector<1x16xi32>,
    %get3A_305 = vector.shape_cast %get3A_304 : vector<1x16xi32> to vector<16xi32>
    %shift_right_logical3A_306 = arith.constant 16 : i32
    %shift_right_logical3A_307 = vector.broadcast %shift_right_logical3A_306 : i32 to vector<16xi32>
    %shift_right_logical3A_308 = arith.shrui %get3A_305, %shift_right_logical3A_307 : vector<16xi32>
    %swap3A_309 = arith.constant 48 : index
    %swap3A_310 = tpu.vector_load %arg6[%swap3A_309] {strides = array<i32>} : memref<80xi32, #tpu.memory_space<vmem>>, vector<16xi32>,
    %swap3A_311 = vector.shape_cast %swap3A_310 : vector<16xi32> to vector<16xi32>
    %swap3A_312 = vector.shape_cast %shift_right_logical3A_308 : vector<16xi32> to vector<16xi32>
    tpu.vector_store %arg6[%swap3A_309], %swap3A_312 {strides = array<i32>} : memref<80xi32, #tpu.memory_space<vmem>>, vector<16xi32>,
    %and3A_313 = arith.constant 65535 : i32
    %and3A_314 = vector.broadcast %and3A_313 : i32 to vector<16xi32>
    %and3A_315 = arith.andi %get3A_305, %and3A_314 : vector<16xi32>
    %swap3A_316 = arith.constant 48 : index
    %swap3A_317 = tpu.vector_load %arg7[%swap3A_316] {strides = array<i32>} : memref<80xi32, #tpu.memory_space<vmem>>, vector<16xi32>,
    %swap3A_318 = vector.shape_cast %swap3A_317 : vector<16xi32> to vector<16xi32>
    %swap3A_319 = vector.shape_cast %and3A_315 : vector<16xi32> to vector<16xi32>
    tpu.vector_store %arg7[%swap3A_316], %swap3A_319 {strides = array<i32>} : memref<80xi32, #tpu.memory_space<vmem>>, vector<16xi32>,
    %get3A_320 = arith.constant 124 : i32
    %get3A_321 = arith.index_cast %get3A_320 : i32 to index
    %get3A_322 = arith.constant 64 : index
    %get3A_323 = tpu.vector_load %arg5[%get3A_321, %get3A_322] {strides = array<i32>} : memref<125x80xi32, #tpu.memory_space<vmem>>, vector<1x16xi32>,
    %get3A_324 = vector.shape_cast %get3A_323 : vector<1x16xi32> to vector<16xi32>
    %shift_right_logical3A_325 = arith.constant 16 : i32
    %shift_right_logical3A_326 = vector.broadcast %shift_right_logical3A_325 : i32 to vector<16xi32>
    %shift_right_logical3A_327 = arith.shrui %get3A_324, %shift_right_logical3A_326 : vector<16xi32>
    %swap3A_328 = arith.constant 64 : index
    %swap3A_329 = tpu.vector_load %arg6[%swap3A_328] {strides = array<i32>} : memref<80xi32, #tpu.memory_space<vmem>>, vector<16xi32>,
    %swap3A_330 = vector.shape_cast %swap3A_329 : vector<16xi32> to vector<16xi32>
    %swap3A_331 = vector.shape_cast %shift_right_logical3A_327 : vector<16xi32> to vector<16xi32>
    tpu.vector_store %arg6[%swap3A_328], %swap3A_331 {strides = array<i32>} : memref<80xi32, #tpu.memory_space<vmem>>, vector<16xi32>,
    %and3A_332 = arith.constant 65535 : i32
    %and3A_333 = vector.broadcast %and3A_332 : i32 to vector<16xi32>
    %and3A_334 = arith.andi %get3A_324, %and3A_333 : vector<16xi32>
    %swap3A_335 = arith.constant 64 : index
    %swap3A_336 = tpu.vector_load %arg7[%swap3A_335] {strides = array<i32>} : memref<80xi32, #tpu.memory_space<vmem>>, vector<16xi32>,
    %swap3A_337 = vector.shape_cast %swap3A_336 : vector<16xi32> to vector<16xi32>
    %swap3A_338 = vector.shape_cast %and3A_334 : vector<16xi32> to vector<16xi32>
    tpu.vector_store %arg7[%swap3A_335], %swap3A_338 {strides = array<i32>} : memref<80xi32, #tpu.memory_space<vmem>>, vector<16xi32>,
    %dma_start3A_339 = arith.constant 0 : i32
    %dma_start3A_340 = arith.constant 0 : i32
    %dma_start3A_341 = tpu.memref_slice %arg2[%dma_start3A_339, %dma_start3A_340] : memref<10000x144xf32, #tpu.memory_space<hbm>> -> memref<10000x144xf32, #tpu.memory_space<hbm>>
    tpu.enqueue_indirect_dma source(%dma_start3A_341 : memref<10000x144xf32, #tpu.memory_space<hbm>>) target(%arg10 : memref<80x144xf32, #tpu.memory_space<vmem>>) offsets(%arg6 : memref<80xi32, #tpu.memory_space<vmem>>) semaphore(%arg13 : memref<!tpu.dma_semaphore, #tpu.memory_space<semaphore_mem>>)
    %dma_wait3A_342 = arith.constant 0 : i32
    %dma_wait3A_343 = arith.constant 0 : i32
    %dma_wait3A_344 = tpu.memref_slice %arg2[%dma_wait3A_342, %dma_wait3A_343] : memref<10000x144xf32, #tpu.memory_space<hbm>> -> memref<10000x144xf32, #tpu.memory_space<hbm>>
    tpu.wait_indirect_dma semaphore(%arg14 : memref<!tpu.dma_semaphore, #tpu.memory_space<semaphore_mem>>) src(%dma_wait3A_344 : memref<10000x144xf32, #tpu.memory_space<hbm>>) dst(%arg11 : memref<80x144xf32, #tpu.memory_space<vmem>>)
    %dma_start3A_345 = arith.constant 0 : i32
    %dma_start3A_346 = arith.constant 0 : i32
    %dma_start3A_347 = tpu.memref_slice %arg12[%dma_start3A_345, %dma_start3A_346] : memref<10000x144xf32, #tpu.memory_space<vmem_shared>> -> memref<10000x144xf32, #tpu.memory_space<vmem_shared>>
    tpu.enqueue_indirect_dma source(%arg11 : memref<80x144xf32, #tpu.memory_space<vmem>>) target(%dma_start3A_347 : memref<10000x144xf32, #tpu.memory_space<vmem_shared>>) offsets(%arg9 : memref<80xi32, #tpu.memory_space<vmem>>) semaphore(%arg16 : memref<!tpu.dma_semaphore, #tpu.memory_space<semaphore_mem>>) {add = true}
    %dma_wait3A_348 = arith.constant 0 : i32
    %dma_wait3A_349 = arith.constant 0 : i32
    %dma_wait3A_350 = tpu.memref_slice %arg12[%dma_wait3A_348, %dma_wait3A_349] : memref<10000x144xf32, #tpu.memory_space<vmem_shared>> -> memref<10000x144xf32, #tpu.memory_space<vmem_shared>>
    tpu.wait_indirect_dma semaphore(%arg16 : memref<!tpu.dma_semaphore, #tpu.memory_space<semaphore_mem>>) src(%arg11 : memref<80x144xf32, #tpu.memory_space<vmem>>) dst(%dma_wait3A_350 : memref<10000x144xf32, #tpu.memory_space<vmem_shared>>)
    %dma_wait3A_351 = arith.constant 0 : i32
    %dma_wait3A_352 = arith.constant 0 : i32
    %dma_wait3A_353 = tpu.memref_slice %arg2[%dma_wait3A_351, %dma_wait3A_352] : memref<10000x144xf32, #tpu.memory_space<hbm>> -> memref<10000x144xf32, #tpu.memory_space<hbm>>
    tpu.wait_indirect_dma semaphore(%arg13 : memref<!tpu.dma_semaphore, #tpu.memory_space<semaphore_mem>>) src(%dma_wait3A_353 : memref<10000x144xf32, #tpu.memory_space<hbm>>) dst(%arg10 : memref<80x144xf32, #tpu.memory_space<vmem>>)
    %dma_start3A_354 = arith.constant 0 : i32
    %dma_start3A_355 = arith.constant 0 : i32
    %dma_start3A_356 = tpu.memref_slice %arg12[%dma_start3A_354, %dma_start3A_355] : memref<10000x144xf32, #tpu.memory_space<vmem_shared>> -> memref<10000x144xf32, #tpu.memory_space<vmem_shared>>
    tpu.enqueue_indirect_dma source(%arg10 : memref<80x144xf32, #tpu.memory_space<vmem>>) target(%dma_start3A_356 : memref<10000x144xf32, #tpu.memory_space<vmem_shared>>) offsets(%arg7 : memref<80xi32, #tpu.memory_space<vmem>>) semaphore(%arg15 : memref<!tpu.dma_semaphore, #tpu.memory_space<semaphore_mem>>) {add = true}
    %dma_wait3A_357 = arith.constant 0 : i32
    %dma_wait3A_358 = arith.constant 0 : i32
    %dma_wait3A_359 = tpu.memref_slice %arg12[%dma_wait3A_357, %dma_wait3A_358] : memref<10000x144xf32, #tpu.memory_space<vmem_shared>> -> memref<10000x144xf32, #tpu.memory_space<vmem_shared>>
    tpu.wait_indirect_dma semaphore(%arg15 : memref<!tpu.dma_semaphore, #tpu.memory_space<semaphore_mem>>) src(%arg10 : memref<80x144xf32, #tpu.memory_space<vmem>>) dst(%dma_wait3A_359 : memref<10000x144xf32, #tpu.memory_space<vmem_shared>>)
    %barrier3A_360 = arith.constant 0 : index
    tpu.barrier barrier_id(%barrier3A_360)
    %mul3A_361 = arith.constant 625 : i32
    %mul3A_362 = arith.muli %arg1, %mul3A_361 : i32
    %mul3A_363 = arith.constant 625 : i32
    %mul3A_364 = arith.muli %arg1, %mul3A_363 : i32
    "tpu.region"() ({
      %run_scoped3A = tpu.sem_alloc : memref<!tpu.dma_semaphore, #tpu.memory_space<semaphore_mem>>
      %dma_start3A_365 = arith.constant 0 : i32
      %dma_start3A_366 = tpu.memref_slice %arg4[%arg0, %mul3A_364, %dma_start3A_365] : memref<2x10000x144xf32, #tpu.memory_space<hbm>> -> memref<1x625x144xf32, #tpu.memory_space<hbm>>
      %dma_start3A_367 = tpu.memref_squeeze %dma_start3A_366 : memref<1x625x144xf32, #tpu.memory_space<hbm>> -> memref<625x144xf32, #tpu.memory_space<hbm>>
      %dma_start3A_368 = arith.constant 0 : i32
      %dma_start3A_369 = tpu.memref_slice %arg12[%mul3A_362, %dma_start3A_368] : memref<10000x144xf32, #tpu.memory_space<vmem_shared>> -> memref<625x144xf32, #tpu.memory_space<vmem_shared>>
      tpu.enqueue_dma source(%dma_start3A_369 : memref<625x144xf32, #tpu.memory_space<vmem_shared>>) target(%dma_start3A_367 : memref<625x144xf32, #tpu.memory_space<hbm>>) target_semaphore(%run_scoped3A : memref<!tpu.dma_semaphore, #tpu.memory_space<semaphore_mem>>)
      %dma_wait3A_370 = arith.constant 0 : i32
      %dma_wait3A_371 = tpu.memref_slice %arg4[%arg0, %mul3A_364, %dma_wait3A_370] : memref<2x10000x144xf32, #tpu.memory_space<hbm>> -> memref<1x625x144xf32, #tpu.memory_space<hbm>>
      %dma_wait3A_372 = tpu.memref_squeeze %dma_wait3A_371 : memref<1x625x144xf32, #tpu.memory_space<hbm>> -> memref<625x144xf32, #tpu.memory_space<hbm>>
      %dma_wait3A_373 = arith.constant 0 : i32
      %dma_wait3A_374 = tpu.memref_slice %arg12[%mul3A_362, %dma_wait3A_373] : memref<10000x144xf32, #tpu.memory_space<vmem_shared>> -> memref<625x144xf32, #tpu.memory_space<vmem_shared>>
      tpu.wait_dma2 semaphore(%run_scoped3A : memref<!tpu.dma_semaphore, #tpu.memory_space<semaphore_mem>>) src(%dma_wait3A_374 : memref<625x144xf32, #tpu.memory_space<vmem_shared>>) dst(%dma_wait3A_372 : memref<625x144xf32, #tpu.memory_space<hbm>>)
      tpu.yield
    }) : () -> ()
    return
  }
}

module attributes {stable_mosaic.version = 14 : i64} {
  func.func @body(%arg0: i32, %arg1: memref<1000x128xf32, #tpu.memory_space<vmem>>, %arg2: memref<128x128xf32, #tpu.memory_space<vmem>>, %arg3: memref<1x128xf32, #tpu.memory_space<vmem>>, %arg4: memref<1000x128xf32, #tpu.memory_space<vmem>>) attributes {dimension_semantics = [#tpu.dimension_semantics<arbitrary>], iteration_bounds = array<i64: 10>, scalar_prefetch = 0 : i64, scratch_operands = 0 : i64, tpu.core_type = #tpu.core_type<tc>, window_params = [{transform_indices = @transform_0, window_bounds = array<i64: 1000, 128>}, {pipeline_mode = #tpu.pipeline_mode<synchronous>, transform_indices = @transform_1, window_bounds = array<i64: 128, 128>}, {pipeline_mode = #tpu.pipeline_mode<synchronous>, transform_indices = @transform_2, window_bounds = array<i64: 1, 128>}, {transform_indices = @transform_3, window_bounds = array<i64: 1000, 128>}]} {
    %get3A = arith.constant 0 : index
    %get3A_0 = arith.constant 0 : index
    %get3A_1 = vector.load %arg1[%get3A, %get3A_0] : memref<1000x128xf32, #tpu.memory_space<vmem>>, vector<1000x128xf32>
    %get3A_2 = arith.constant 0 : index
    %get3A_3 = arith.constant 0 : index
    %get3A_4 = vector.load %arg2[%get3A_2, %get3A_3] : memref<128x128xf32, #tpu.memory_space<vmem>>, vector<128x128xf32>
    %dot_general3A = arith.constant dense<0.000000e+00> : vector<1000x128xf32>
    %dot_general3A_5 = tpu.matmul %get3A_1, %get3A_4, %dot_general3A {dimension_numbers = #tpu.dot_dimension_numbers<[1], [1], [0], [0], [0, 0, 1, 0], [], []>, transpose_lhs_hint = false} : vector<1000x128xf32>, vector<128x128xf32>, vector<1000x128xf32> -> vector<1000x128xf32>
    %get3A_6 = arith.constant 0 : index
    %get3A_7 = arith.constant 0 : index
    %get3A_8 = vector.load %arg3[%get3A_6, %get3A_7] : memref<1x128xf32, #tpu.memory_space<vmem>>, vector<1x128xf32>
    %add3A = vector.broadcast %get3A_8 : vector<1x128xf32> to vector<1000x128xf32>
    %add3A_9 = arith.addf %dot_general3A_5, %add3A : vector<1000x128xf32>
    %swap3A = arith.constant 0 : index
    %swap3A_10 = arith.constant 0 : index
    %swap3A_11 = vector.load %arg4[%swap3A, %swap3A_10] : memref<1000x128xf32, #tpu.memory_space<vmem>>, vector<1000x128xf32>
    tpu.vector_store %arg4[%swap3A, %swap3A_10], %add3A_9 {strides = array<i32>} : memref<1000x128xf32, #tpu.memory_space<vmem>>, vector<1000x128xf32>,
    return
  }
  func.func @transform_0(%arg0: i32) -> (i32, i32) {
    %c0_i32 = arith.constant 0 : i32
    %c0_i32_0 = arith.constant 0 : i32
    return %arg0, %c0_i32 : i32, i32
  }
  func.func @transform_1(%arg0: i32) -> (i32, i32) {
    %c0_i32 = arith.constant 0 : i32
    %c0_i32_0 = arith.constant 0 : i32
    %c0_i32_1 = arith.constant 0 : i32
    return %c0_i32, %c0_i32_0 : i32, i32
  }
  func.func @transform_2(%arg0: i32) -> (i32, i32) {
    %c0_i32 = arith.constant 0 : i32
    %c0_i32_0 = arith.constant 0 : i32
    %c0_i32_1 = arith.constant 0 : i32
    return %c0_i32, %c0_i32_0 : i32, i32
  }
  func.func @transform_3(%arg0: i32) -> (i32, i32) {
    %c0_i32 = arith.constant 0 : i32
    %c0_i32_0 = arith.constant 0 : i32
    return %arg0, %c0_i32 : i32, i32
  }
}

module attributes {stable_mosaic.version = 14 : i64} {
  func.func @body(%arg0: i32, %arg1: memref<2x1000x144xf32, #tpu.memory_space<vmem>>, %arg2: memref<1000x128xf32, #tpu.memory_space<vmem>>, %arg3: memref<128x128xf32, #tpu.memory_space<vmem>>, %arg4: memref<1x128xf32, #tpu.memory_space<vmem>>, %arg5: memref<1x128xf32, #tpu.memory_space<vmem>>, %arg6: memref<10000x128xf32, #tpu.memory_space<vmem>>, %arg7: memref<10000x128xf32, #tpu.memory_space<vmem>>, %arg8: memref<1x128xf32, #tpu.memory_space<vmem>>, %arg9: memref<1x128xf32, #tpu.memory_space<vmem>>) attributes {dimension_semantics = [#tpu.dimension_semantics<arbitrary>], iteration_bounds = array<i64: 10>, scalar_prefetch = 0 : i64, scratch_operands = 3 : i64, tpu.core_type = #tpu.core_type<tc>, window_params = [{transform_indices = @transform_0, window_bounds = array<i64: 2, 1000, 144>}, {transform_indices = @transform_1, window_bounds = array<i64: 1000, 128>}, {pipeline_mode = #tpu.pipeline_mode<synchronous>, transform_indices = @transform_2, window_bounds = array<i64: 128, 128>}, {pipeline_mode = #tpu.pipeline_mode<synchronous>, transform_indices = @transform_3, window_bounds = array<i64: 1, 128>}, {pipeline_mode = #tpu.pipeline_mode<synchronous>, transform_indices = @transform_4, window_bounds = array<i64: 1, 128>}, {pipeline_mode = #tpu.pipeline_mode<synchronous>, transform_indices = @transform_5, window_bounds = array<i64: 10000, 128>}]} {
    %get3A = arith.constant 0 : index
    %get3A_0 = arith.constant 0 : index
    %get3A_1 = arith.constant 0 : index
    %get3A_2 = vector.load %arg1[%get3A, %get3A_0, %get3A_1] : memref<2x1000x144xf32, #tpu.memory_space<vmem>>, vector<1x1000x144xf32>
    %get3A_3 = vector.shape_cast %get3A_2 : vector<1x1000x144xf32> to vector<1000x144xf32>
    %get3A_4 = arith.constant 1 : index
    %get3A_5 = arith.constant 0 : index
    %get3A_6 = arith.constant 0 : index
    %get3A_7 = vector.load %arg1[%get3A_4, %get3A_5, %get3A_6] : memref<2x1000x144xf32, #tpu.memory_space<vmem>>, vector<1x1000x144xf32>
    %get3A_8 = vector.shape_cast %get3A_7 : vector<1x1000x144xf32> to vector<1000x144xf32>
    %add3A = arith.addf %get3A_3, %get3A_8 : vector<1000x144xf32>
    %slice3A = vector.extract_strided_slice %add3A {offsets = [0, 128], sizes = [1000, 1], strides = [1, 1]} : vector<1000x144xf32> to vector<1000x1xf32>
    %slice3A_9 = vector.extract_strided_slice %add3A {offsets = [0, 0], sizes = [1000, 128], strides = [1, 1]} : vector<1000x144xf32> to vector<1000x128xf32>
    %max3A = arith.constant 1.000000e+00 : f32
    %max3A_10 = vector.broadcast %max3A : f32 to vector<1000x1xf32>
    %max3A_11 = arith.maximumf %slice3A, %max3A_10 : vector<1000x1xf32>
    %div3A = vector.broadcast %max3A_11 : vector<1000x1xf32> to vector<1000x128xf32>
    %div3A_12 = arith.divf %slice3A_9, %div3A : vector<1000x128xf32>
    %get3A_13 = arith.constant 0 : index
    %get3A_14 = arith.constant 0 : index
    %get3A_15 = vector.load %arg3[%get3A_13, %get3A_14] : memref<128x128xf32, #tpu.memory_space<vmem>>, vector<128x128xf32>
    %dot_general3A = arith.constant dense<0.000000e+00> : vector<1000x128xf32>
    %dot_general3A_16 = tpu.matmul %div3A_12, %get3A_15, %dot_general3A {dimension_numbers = #tpu.dot_dimension_numbers<[1], [1], [0], [0], [0, 0, 1, 0], [], []>, transpose_lhs_hint = false} : vector<1000x128xf32>, vector<128x128xf32>, vector<1000x128xf32> -> vector<1000x128xf32>
    %get3A_17 = arith.constant 0 : index
    %get3A_18 = arith.constant 0 : index
    %get3A_19 = vector.load %arg2[%get3A_17, %get3A_18] : memref<1000x128xf32, #tpu.memory_space<vmem>>, vector<1000x128xf32>
    %add3A_20 = arith.addf %dot_general3A_16, %get3A_19 : vector<1000x128xf32>
    %mul3A = arith.constant 1000 : i32
    %mul3A_21 = arith.muli %arg0, %mul3A : i32
    %swap3A = arith.index_cast %mul3A_21 : i32 to index
    %swap3A_22 = arith.constant 0 : index
    %swap3A_23 = vector.load %arg7[%swap3A, %swap3A_22] : memref<10000x128xf32, #tpu.memory_space<vmem>>, vector<1000x128xf32>
    tpu.vector_store %arg7[%swap3A, %swap3A_22], %add3A_20 {strides = array<i32>} : memref<10000x128xf32, #tpu.memory_space<vmem>>, vector<1000x128xf32>,
    %eq3A = arith.constant 0 : i32
    %eq3A_24 = arith.cmpi eq, %arg0, %eq3A : i32
    %convert_element_type3A = arith.extui %eq3A_24 : i1 to i32
    %cond3A = arith.constant 0 : i32
    %cond3A_25 = arith.cmpi ne, %convert_element_type3A, %cond3A : i32
    scf.if %cond3A_25 {
      %reduce_sum3A = arith.constant dense<0.000000e+00> : vector<128xf32>
      %reduce_sum3A_35 = vector.multi_reduction <add>, %add3A_20, %reduce_sum3A [0] : vector<1000x128xf32> to vector<128xf32>
      %broadcast_in_dim3A = vector.shape_cast %reduce_sum3A_35 : vector<128xf32> to vector<1x128xf32>
      %swap3A_36 = arith.constant 0 : index
      %swap3A_37 = arith.constant 0 : index
      %swap3A_38 = vector.load %arg8[%swap3A_36, %swap3A_37] : memref<1x128xf32, #tpu.memory_space<vmem>>, vector<1x128xf32>
      tpu.vector_store %arg8[%swap3A_36, %swap3A_37], %broadcast_in_dim3A {strides = array<i32>} : memref<1x128xf32, #tpu.memory_space<vmem>>, vector<1x128xf32>,
      %mul3A_39 = arith.mulf %add3A_20, %add3A_20 : vector<1000x128xf32>
      %reduce_sum3A_40 = arith.constant dense<0.000000e+00> : vector<128xf32>
      %reduce_sum3A_41 = vector.multi_reduction <add>, %mul3A_39, %reduce_sum3A_40 [0] : vector<1000x128xf32> to vector<128xf32>
      %broadcast_in_dim3A_42 = vector.shape_cast %reduce_sum3A_41 : vector<128xf32> to vector<1x128xf32>
      %swap3A_43 = arith.constant 0 : index
      %swap3A_44 = arith.constant 0 : index
      %swap3A_45 = vector.load %arg9[%swap3A_43, %swap3A_44] : memref<1x128xf32, #tpu.memory_space<vmem>>, vector<1x128xf32>
      tpu.vector_store %arg9[%swap3A_43, %swap3A_44], %broadcast_in_dim3A_42 {strides = array<i32>} : memref<1x128xf32, #tpu.memory_space<vmem>>, vector<1x128xf32>,
    } else {
    }
    %gt3A = arith.constant 0 : i32
    %gt3A_26 = arith.cmpi sgt, %arg0, %gt3A : i32
    %convert_element_type3A_27 = arith.extui %gt3A_26 : i1 to i32
    %cond3A_28 = arith.constant 0 : i32
    %cond3A_29 = arith.cmpi ne, %convert_element_type3A_27, %cond3A_28 : i32
    scf.if %cond3A_29 {
      %get3A_35 = arith.constant 0 : index
      %get3A_36 = arith.constant 0 : index
      %get3A_37 = vector.load %arg8[%get3A_35, %get3A_36] : memref<1x128xf32, #tpu.memory_space<vmem>>, vector<1x128xf32>
      %reduce_sum3A = arith.constant dense<0.000000e+00> : vector<128xf32>
      %reduce_sum3A_38 = vector.multi_reduction <add>, %add3A_20, %reduce_sum3A [0] : vector<1000x128xf32> to vector<128xf32>
      %broadcast_in_dim3A = vector.shape_cast %reduce_sum3A_38 : vector<128xf32> to vector<1x128xf32>
      %add3A_39 = arith.addf %get3A_37, %broadcast_in_dim3A : vector<1x128xf32>
      %swap3A_40 = arith.constant 0 : index
      %swap3A_41 = arith.constant 0 : index
      %swap3A_42 = vector.load %arg8[%swap3A_40, %swap3A_41] : memref<1x128xf32, #tpu.memory_space<vmem>>, vector<1x128xf32>
      tpu.vector_store %arg8[%swap3A_40, %swap3A_41], %add3A_39 {strides = array<i32>} : memref<1x128xf32, #tpu.memory_space<vmem>>, vector<1x128xf32>,
      %get3A_43 = arith.constant 0 : index
      %get3A_44 = arith.constant 0 : index
      %get3A_45 = vector.load %arg9[%get3A_43, %get3A_44] : memref<1x128xf32, #tpu.memory_space<vmem>>, vector<1x128xf32>
      %mul3A_46 = arith.mulf %add3A_20, %add3A_20 : vector<1000x128xf32>
      %reduce_sum3A_47 = arith.constant dense<0.000000e+00> : vector<128xf32>
      %reduce_sum3A_48 = vector.multi_reduction <add>, %mul3A_46, %reduce_sum3A_47 [0] : vector<1000x128xf32> to vector<128xf32>
      %broadcast_in_dim3A_49 = vector.shape_cast %reduce_sum3A_48 : vector<128xf32> to vector<1x128xf32>
      %add3A_50 = arith.addf %get3A_45, %broadcast_in_dim3A_49 : vector<1x128xf32>
      %swap3A_51 = arith.constant 0 : index
      %swap3A_52 = arith.constant 0 : index
      %swap3A_53 = vector.load %arg9[%swap3A_51, %swap3A_52] : memref<1x128xf32, #tpu.memory_space<vmem>>, vector<1x128xf32>
      tpu.vector_store %arg9[%swap3A_51, %swap3A_52], %add3A_50 {strides = array<i32>} : memref<1x128xf32, #tpu.memory_space<vmem>>, vector<1x128xf32>,
    } else {
    }
    %eq3A_30 = arith.constant 9 : i32
    %eq3A_31 = arith.cmpi eq, %arg0, %eq3A_30 : i32
    %convert_element_type3A_32 = arith.extui %eq3A_31 : i1 to i32
    %cond3A_33 = arith.constant 0 : i32
    %cond3A_34 = arith.cmpi ne, %convert_element_type3A_32, %cond3A_33 : i32
    scf.if %cond3A_34 {
      %get3A_35 = arith.constant 0 : index
      %get3A_36 = arith.constant 0 : index
      %get3A_37 = vector.load %arg8[%get3A_35, %get3A_36] : memref<1x128xf32, #tpu.memory_space<vmem>>, vector<1x128xf32>
      %mul3A_38 = arith.constant 9.99999974E-5 : f32
      %mul3A_39 = vector.broadcast %mul3A_38 : f32 to vector<1x128xf32>
      %mul3A_40 = arith.mulf %get3A_37, %mul3A_39 : vector<1x128xf32>
      %get3A_41 = arith.constant 0 : index
      %get3A_42 = arith.constant 0 : index
      %get3A_43 = vector.load %arg9[%get3A_41, %get3A_42] : memref<1x128xf32, #tpu.memory_space<vmem>>, vector<1x128xf32>
      %mul3A_44 = arith.constant 9.99999974E-5 : f32
      %mul3A_45 = vector.broadcast %mul3A_44 : f32 to vector<1x128xf32>
      %mul3A_46 = arith.mulf %get3A_43, %mul3A_45 : vector<1x128xf32>
      %mul3A_47 = arith.mulf %mul3A_40, %mul3A_40 : vector<1x128xf32>
      %sub3A = arith.subf %mul3A_46, %mul3A_47 : vector<1x128xf32>
      %get3A_48 = arith.constant 0 : index
      %get3A_49 = arith.constant 0 : index
      %get3A_50 = vector.load %arg4[%get3A_48, %get3A_49] : memref<1x128xf32, #tpu.memory_space<vmem>>, vector<1x128xf32>
      %add3A_51 = arith.constant 9.99999974E-6 : f32
      %add3A_52 = vector.broadcast %add3A_51 : f32 to vector<1x128xf32>
      %add3A_53 = arith.addf %sub3A, %add3A_52 : vector<1x128xf32>
      %rsqrt3A = math.rsqrt %add3A_53 : vector<1x128xf32>
      %mul3A_54 = arith.mulf %get3A_50, %rsqrt3A : vector<1x128xf32>
      %get3A_55 = arith.constant 0 : index
      %get3A_56 = arith.constant 0 : index
      %get3A_57 = vector.load %arg5[%get3A_55, %get3A_56] : memref<1x128xf32, #tpu.memory_space<vmem>>, vector<1x128xf32>
      %mul3A_58 = arith.mulf %mul3A_40, %mul3A_54 : vector<1x128xf32>
      %sub3A_59 = arith.subf %get3A_57, %mul3A_58 : vector<1x128xf32>
      %get3A_60 = arith.constant 0 : index
      %get3A_61 = arith.constant 0 : index
      %get3A_62 = vector.load %arg7[%get3A_60, %get3A_61] : memref<10000x128xf32, #tpu.memory_space<vmem>>, vector<10000x128xf32>
      %mul3A_63 = vector.broadcast %mul3A_54 : vector<1x128xf32> to vector<10000x128xf32>
      %mul3A_64 = arith.mulf %get3A_62, %mul3A_63 : vector<10000x128xf32>
      %add3A_65 = vector.broadcast %sub3A_59 : vector<1x128xf32> to vector<10000x128xf32>
      %add3A_66 = arith.addf %mul3A_64, %add3A_65 : vector<10000x128xf32>
      %max3A_67 = arith.constant 0.000000e+00 : f32
      %max3A_68 = vector.broadcast %max3A_67 : f32 to vector<10000x128xf32>
      %max3A_69 = arith.maximumf %add3A_66, %max3A_68 : vector<10000x128xf32>
      %swap3A_70 = arith.constant 0 : index
      %swap3A_71 = arith.constant 0 : index
      %swap3A_72 = vector.load %arg6[%swap3A_70, %swap3A_71] : memref<10000x128xf32, #tpu.memory_space<vmem>>, vector<10000x128xf32>
      tpu.vector_store %arg6[%swap3A_70, %swap3A_71], %max3A_69 {strides = array<i32>} : memref<10000x128xf32, #tpu.memory_space<vmem>>, vector<10000x128xf32>,
    } else {
    }
    return
  }
  func.func @transform_0(%arg0: i32) -> (i32, i32, i32) {
    %c0_i32 = arith.constant 0 : i32
    %c0_i32_0 = arith.constant 0 : i32
    %c0_i32_1 = arith.constant 0 : i32
    return %c0_i32, %arg0, %c0_i32_0 : i32, i32, i32
  }
  func.func @transform_1(%arg0: i32) -> (i32, i32) {
    %c0_i32 = arith.constant 0 : i32
    %c0_i32_0 = arith.constant 0 : i32
    return %arg0, %c0_i32 : i32, i32
  }
  func.func @transform_2(%arg0: i32) -> (i32, i32) {
    %c0_i32 = arith.constant 0 : i32
    %c0_i32_0 = arith.constant 0 : i32
    %c0_i32_1 = arith.constant 0 : i32
    return %c0_i32, %c0_i32_0 : i32, i32
  }
  func.func @transform_3(%arg0: i32) -> (i32, i32) {
    %c0_i32 = arith.constant 0 : i32
    %c0_i32_0 = arith.constant 0 : i32
    %c0_i32_1 = arith.constant 0 : i32
    return %c0_i32, %c0_i32_0 : i32, i32
  }
  func.func @transform_4(%arg0: i32) -> (i32, i32) {
    %c0_i32 = arith.constant 0 : i32
    %c0_i32_0 = arith.constant 0 : i32
    %c0_i32_1 = arith.constant 0 : i32
    return %c0_i32, %c0_i32_0 : i32, i32
  }
  func.func @transform_5(%arg0: i32) -> (i32, i32) {
    %c0_i32 = arith.constant 0 : i32
    %c0_i32_0 = arith.constant 0 : i32
    %c0_i32_1 = arith.constant 0 : i32
    return %c0_i32, %c0_i32_0 : i32, i32
  }
}

</mosaic_0001>

<sc_bundles>
// kernel: kernel.5.cloned.1.call-start
scs
__scs_entry_jumppad:
0x0: {  	(pc) =	sbr.rel $0x88, $3  }
0x1: {  	(tag) =	ssettag $0x0;
	lr =	simm.s32 $0x1  }
0x2: {  	[smem:$0x3F9A] =	sst lr;
	_ =	strace $0xD0000000  }
0x3: {  	_ = 	snop  }
0x4: {  	_ = 	snop  }
0x5: {  	_ = 	snop  }
0x6: {  	_ = 	snop  }
0x7: {  	_ = 	snop  }
__scs_overlays_trampoline_lowered:
0x8: {  	[smem:$0x3FA9] =	sst s0  }
0x9: {  	[smem:$0x3FAA] =	sst s1  }
0xa: {  	[smem:$0x3FAB] =	sst s2  }
0xb: {  	[smem:$0x3FAC] =	sst s3  }
0xc: {  	[smem:$0x3FAD] =	sst s4  }
0xd: {  	[smem:$0x3FAE] =	sst s5  }
0xe: {  	[smem:$0x3FAF] =	sst s6  }
0xf: {  	[smem:$0x3FB0] =	sst s7  }
0x10: {  	[smem:$0x3FB1] =	sst s8  }
0x11: {  	[smem:$0x3FB2] =	sst s9;
	s0 =	simm.s32 @!p0 $0x0  }
0x12: {  	s1 =	sld [smem:$0x3F98];
	s0 =	simm.s32 @p0 $0x1  }
0x13: {  	[smem:$0x3FB3] =	sst s0;
	s0 =	simm.s32 @!p1 $0x0  }
0x14: {  	s2 =	sld [smem:$0x3F97];
	s0 =	simm.s32 @p1 $0x1  }
0x15: {  	[smem:$0x3FB4] =	sst s0;
	s0 =	simm.s32 @!p2 $0x0  }
0x16: {  	s3 =	sld [smem:$0x3FDB];
	s0 =	simm.s32 @p2 $0x1  }
0x17: {  	s4 =	simm.s32 $0x1BF5;
	[smem:$0x3FB6] =	sst s0  }
0x18: {  	s0 =	sld [smem:$0x3F99];
	_ =	swait.ge [sflag:s4], $0x0  }
0x19: {  	s7 =	sld [smem:$0x3F9A]  }
0x1a: {  	s8 =	sadd.s32 $0xFFFFE003, lr  }
0x1b: {  	s9 =	sadd.s32 $0xFFFFFEF7, lr;
	s5 =	simm.s32 $0xFFFFFFFF;
	p2 =	slt.u32 s8, $0xFFFFF086  }
0x1c: {  	p1 =	slt.u32 s9, $0xF7A;
	s5 =	simm.s32 @!p2 $0x0  }
0x1d: {  	s5 =	simm.s32 @p1 $0x1;
	p0 =	seq.s32 s7, s2  }
0x1e: {  	s7 =	smul.u32 @!p0 $0xF7A, s2;
	p2 =	seq.s32 @!p0 s5, $0x0  }
0x1f: {  	s9 =	smul.u32 $0xF7A, s1;
	s8 =	simm.s32 @!p0 $0x1BF5;
	p2 =	por !p2, p0  }
0x20: {  	[sflag:s8] =	ssyncset.s32 @!p0 $0xFFFFF086;
	s6 =	sadd.s32 @!p0 s3, s7;
	s7 =	simm.s32 @!p0 $0x108  }
0x21: {  	s3 =	sadd.s32 s3, s9;
	s6 =	sadd.s32 @!p0 $0x88, s6;
	s7 =	simm.s32 @p2 $0x1082  }
0x22: {  	[simem:s7], [sflag:s8] =	dma.local @!p0 [hbm:s6], $0xF7A  }
0x23: {  	s9 =	sor.u32 $0xD0000000, s2;
	s6 =	simm.s32 $0x108;
	_ =	swait.ge @!p0 [sflag:s8], $0x0  }
0x24: {  	s3 =	sadd.s32 $0x88, s3;
	s6 =	simm.s32 @!p1 $0x1082;
	[sflag:s4] =	ssyncset.s32 $0xFFFFF086  }
0x25: {  	[simem:s6], [sflag:s4] =	dma.local [hbm:s3], $0xF7A  }
0x26: {  	[smem:$0x3F9A] =	sst s1;
	(tag) =	ssettag s2;
	_ =	strace s9  }
0x27: {  	s1 =	sld [smem:$0x3FAA]  }
0x28: {  	s2 =	sld [smem:$0x3FAB]  }
0x29: {  	s4 =	sld [smem:$0x3FAD]  }
0x2a: {  	p0 =	seq.s32 s5, $0x0;
	s5 =	sld [smem:$0x3FAE]  }
0x2b: {  	s6 =	sld [smem:$0x3FAF]  }
0x2c: {  	s7 =	sld [smem:$0x3FB0]  }
0x2d: {  	s3 =	simm.s32 $0x108;
	s8 =	sld [smem:$0x3FB1]  }
0x2e: {  	s3 =	simm.s32 @!p0 $0x1082;
	s9 =	sld [smem:$0x3FB2]  }
0x2f: {  	lr =	sadd.s32 s0, s3;
	s0 =	sld [smem:$0x3FA9]  }
0x30: {  	s3 =	sld [smem:$0x3FAC]  }
0x31: {  	[smem:$0x3FB5] =	sst s10  }
0x32: {  	s10 =	sld [smem:$0x3FB3];
	_ =	sdelay $0x3  }
0x33: {  	p0 =	seq.s32 s10, $0x1;
	s10 =	sld [smem:$0x3FB5];
	_ =	sdelay $0x3  }
0x34: {  	[smem:$0x3FB5] =	sst s10  }
0x35: {  	s10 =	sld [smem:$0x3FB4];
	_ =	sdelay $0x3  }
0x36: {  	p1 =	seq.s32 s10, $0x1;
	s10 =	sld [smem:$0x3FB5];
	_ =	sdelay $0x3  }
0x37: {  	[smem:$0x3FB5] =	sst s10  }
0x38: {  	s10 =	sld [smem:$0x3FB6]  }
0x39: {  	_ = 	snop;
	(pc) =	sbr.ind lr, $3  }
0x3a: {  	_ = 	snop  }
0x3b: {  	_ = 	snop  }
0x3c: {  	p2 =	seq.s32 s10, $0x1;
	s10 =	sld [smem:$0x3FB5]  }
0x3d: {  	_ =	shalt  }
0x3e: {  	_ =	shalt  }
0x3f: {  	_ =	shalt  }
0x40: {  	_ =	shalt  }
0x41: {  	_ =	shalt  }
0x42: {  	_ =	shalt  }
0x43: {  	_ =	shalt  }
0x44: {  	_ =	shalt  }
0x45: {  	_ =	shalt  }
0x46: {  	_ =	shalt  }
0x47: {  	_ =	shalt  }
0x48: {  	_ =	shalt  }
0x49: {  	_ =	shalt  }
0x4a: {  	_ =	shalt  }
0x4b: {  	_ =	shalt  }
0x4c: {  	_ =	shalt  }
0x4d: {  	_ =	shalt  }
0x4e: {  	_ =	shalt  }
0x4f: {  	_ =	shalt  }
0x50: {  	_ =	shalt  }
0x51: {  	_ =	shalt  }
0x52: {  	_ =	shalt  }
0x53: {  	_ =	shalt  }
0x54: {  	_ =	shalt  }
0x55: {  	_ =	shalt  }
0x56: {  	_ =	shalt  }
0x57: {  	_ =	shalt  }
0x58: {  	_ =	shalt  }
0x59: {  	_ =	shalt  }
0x5a: {  	_ =	shalt  }
0x5b: {  	_ =	shalt  }
0x5c: {  	_ =	shalt  }
0x5d: {  	_ =	shalt  }
0x5e: {  	_ =	shalt  }
0x5f: {  	_ =	shalt  }
0x60: {  	_ =	shalt  }
0x61: {  	_ =	shalt  }
0x62: {  	_ =	shalt  }
0x63: {  	_ =	shalt  }
0x64: {  	_ =	shalt  }
0x65: {  	_ =	shalt  }
0x66: {  	_ =	shalt  }
0x67: {  	_ =	shalt  }
0x68: {  	_ =	shalt  }
0x69: {  	_ =	shalt  }
0x6a: {  	_ =	shalt  }
0x6b: {  	_ =	shalt  }
0x6c: {  	_ =	shalt  }
0x6d: {  	_ =	shalt  }
0x6e: {  	_ =	shalt  }
0x6f: {  	_ =	shalt  }
0x70: {  	_ =	shalt  }
0x71: {  	_ =	shalt  }
0x72: {  	_ =	shalt  }
0x73: {  	_ =	shalt  }
0x74: {  	_ =	shalt  }
0x75: {  	_ =	shalt  }
0x76: {  	_ =	shalt  }
0x77: {  	_ =	shalt  }
0x78: {  	_ =	shalt  }
0x79: {  	_ =	shalt  }
0x7a: {  	_ =	shalt  }
0x7b: {  	_ =	shalt  }
0x7c: {  	_ =	shalt  }
0x7d: {  	_ =	shalt  }
0x7e: {  	_ =	shalt  }
0x7f: {  	_ =	shalt  }
0x80: {  	_ =	shalt  }
0x81: {  	_ =	shalt  }
0x82: {  	_ =	shalt  }
0x83: {  	_ =	shalt  }
0x84: {  	_ =	shalt  }
0x85: {  	_ =	shalt  }
0x86: {  	_ =	shalt  }
0x87: {  	_ =	shalt  }
.Lfunc_end0:
.L_simem_size_0:
called_computation_lowered:
.L_overlay_start_0:
0x88: {  	s2 =	sld [smem:$0x3FD9]  }
0x89: {  	s3 =	sld [smem:$0x3FFE];
	_ =	sdelay $0x1  }
0x8a: {  	s1 =	srdreg.scid  }
0x8b: {  	s0 =	sand.u32 $0x1, s1  }
0x8c: {  	s17 =	sshll.u32 s0, $0xA;
	s2 =	sadd.s32 s3, s2  }
0x8d: {  	s2 =	sadd.s32 s2, s17  }
0x8e: {  	[smem:$0x3FC1] =	sst s2  }
0x8f: {  	_ = 	snop  }
0x90: {  	s2 =	sld [smem:$0x3FD0];
	(tm) =	ssettm $0x1  }
0x91: {  	s18 =	sld [smem:$0x3FFB];
	_ =	sdelay $0x3  }
0x92: {  	_ =	strace s18  }
0x93: {  	s3 =	sld [smem:$0x3FFC];
	_ =	sdelay $0x3  }
0x94: {  	_ =	strace s3  }
0x95: {  	s3 =	sld [smem:$0x3FFD];
	_ =	sdelay $0x3  }
0x96: {  	_ =	strace s3  }
0x97: {  	_ =	strace $0x8FFFFFFF  }
0x98: {  	s19 =	sld [smem:$0x3FDB];
	_ =	sdelay $0x1  }
0x99: {  	s4 =	simm.s32 $_scs_section_size  }
0x9a: {  	s5 =	simm.s32 $_size__tile_overlayer_lowered;
	s6 =	simm.s32 $_tile_overlayer_lowered  }
0x9b: {  	s22 =	simm.s32 $0x1BFF;
	s21 =	sshll.u32 s6, $0x1;
	s3 =	sadd.s32 s4, s19  }
0x9c: {  	s7 =	simm.s32 $0x0;
	s20 =	sshll.u32 s5, $0x1;
	s5 =	sadd.s32 s21, s3  }
0x9d: {  	[timem:s7], [sflag:s22] =	dma.local [hbm:s5], s20  }
0x9e: {  	_ =	swait.ge [sflag:s22], s20  }
0x9f: {  	s4 =	ssub.s32 $0x0, s20;
	[sflag:s22] =	ssyncset.done $0x0  }
0xa0: {  	[sflag:s22] =	ssyncadd.s32 s4;
	_ =	sdelay $0x1  }
0xa1: {  	s23 =	simm.s32 $0x1B8B  }
0xa2: {  	_ =	swait.ge [sflag:s23], $0x1  }
0xa3: {  	[sflag:s23] =	ssyncset.done $0x0  }
0xa4: {  	s25 =	simm.s32 $0x1B8E;
	s24 =	sld [smem:$0x3FFE];
	[sflag:s23] =	ssyncadd.s32 $0xFFFFFFFF  }
0xa5: {  	s26 =	simm.s32 $execute0_lowered;
	[smem:$0x3FD2] =	sst s25  }
0xa6: {  	s5 =	sshll.u32 s26, $0x1;
	_ =	strace $0x80000046;
	[dreg:$0x1] =	wrdreg $0xFFFFFFFF  }
0xa7: {  	s28 =	simm.s32 $_size_execute0_lowered;
	s3 =	sadd.s32 s3, s5;
	[dreg:$0x0] =	wrdreg $0x0  }
0xa8: {  	s5 =	sshll.u32 s28, $0x1;
	[dreg:$0x2] =	wrdreg s3  }
0xa9: {  	[dreg:$0x3] =	wrdreg s5  }
0xaa: {  	[dreg:$0x4] =	wrdreg $0xC0  }
0xab: {  	_ =	task [dreg:s7], $0x5FFFF  }
0xac: {  	[dreg:$0x1] =	wrdreg $0xFFFFFFFF  }
0xad: {  	[dreg:$0x0] =	wrdreg $0x60  }
0xae: {  	[dreg:$0x2] =	wrdreg s24  }
0xaf: {  	[dreg:$0x3] =	wrdreg s2  }
0xb0: {  	[dreg:$0x4] =	wrdreg $0x82500  }
0xb1: {  	[dreg:$0x5] =	wrdreg $0x9  }
0xb2: {  	_ =	task.clear_ibuf [dreg:s7], $0x6FFFF;
	_ =	strace $0x90000046  }
0xb3: {  	s29 =	simm.s32 $0x9;
	_ =	strace $0x80000048  }
0xb4: {  	_ =	swait.ge [sflag:s29], $0x1  }
0xb5: {  	[sflag:s29] =	ssyncadd.s32 $0xFFFFFFFF  }
0xb6: {  	_ =	strace $0x90000048  }
0xb7: {  	_ =	sfence  }
0xb8: {  	s30 =	sld [smem:$0x0];
	_ =	sdelay $0x2  }
0xb9: {  	s31 =	sshll.u32 s1, $0xD;
	s1 =	sshrl.u32 s1, $0x2  }
0xba: {  	s3 =	sand.u32 $0x4000, s31;
	s1 =	sadd.s32 s1, s30  }
0xbb: {  	s0 =	sor.u32 s3, s0;
	s1 =	sshll.u32 s1, $0x11  }
0xbc: {  	s0 =	sor.u32 s1, s0  }
0xbd: {  	s0 =	sadd.s32 $0x8F2B, s0  }
0xbe: {  	[sflag:s0] =	ssyncadd.remote.s32 $0x1  }
0xbf: {  	_ =	sfence.sel $0xFFFF  }
0xc0: {  	[dreg:$0x0] =	wrdreg $0xFFFFFFFF;
	(pc) =	sbr.abs _section_cstart, $3  }
0xc1: {  	[dreg:$0x1] =	wrdreg $0xFFFFFFFF  }
0xc2: {  	_ =	task.clear_ibuf [dreg:s7], $0x2FFFF;
	_ =	strace $0x9FFFFFFF  }
0xc3: {  	(tm) =	ssettm $0x7FFFFFFF  }
tec
execute0_lowered:
.L_overlay_start_1:
0x0: {  	(tag) =	ssettag $0x1  }
0x1: {  	s5 =	rddreg [dreg:$0x0]  }
0x2: {  	s6 =	rddreg [dreg:$0x1]  }
0x3: {  	s2 =	rddreg [dreg:$0x2]  }
0x4: {  	s4 =	srdreg.scid;
	s1 =	stileid.u32;
	s3 =	simm.s32 $0x0  }
0x5: {  	s16 =	simm.s32 $0x5;
	s17 =	simm.s32 $0x2850;
	s18 =	simm.s32 $0x50  }
0x6: {  	s19 =	simm.s32 $0x2710;
	s20 =	simm.s32 $0x27B0;
	s21 =	simm.s32 $0x5550  }
0x7: {  	s22 =	simm.s32 $0x1;
	s23 =	simm.s32 $0x2760;
	s24 =	simm.s32 $0x3  }
0x8: {  	s25 =	simm.s32 $0x2;
	s26 =	simm.s32 $0x2800;
	s28 =	simm.s32 $0x4  }
0x9: {  	s29 =	simm.s32 $0x0;
	s7 =	sand.u32 $0x1, s4;
	s8 =	smul.u32 $0x15F90, s1  }
0xa: {  	[smem:$0x7FF] =	sst s3;
	s4 =	sadd.s32 $0xE00, s5;
	s11 =	smul.u32 $0x57E40, s1  }
0xb: {  	s10 =	sshll.u32 s1, $0x1;
	s9 =	smul.u32 $0x15F900, s7;
	s12 =	ssub.s32 $0x2, s7  }
0xc: {  	_ =	strace $0x80000047;
	s7 =	sor.u32 s7, s10;
	s31 =	sshrl.u32 s12, $0x1  }
0xd: {  	s7 =	smul.u32 $0x4E2, s7;
	s11 =	sshrl.u32 s11, $0x2;
	s9 =	sadd.s32 s8, s9  }
0xe: {  	s15 =	ssub.s32 s12, s31;
	s13 =	sadd.s32 s11, s2;
	s9 =	sshrl.u32 s9, $0x3  }
0xf: {  	s10 =	sadd.s32 $0xB400, s13;
	s11 =	sadd.s32 $0xE100, s13;
	s12 =	sadd.s32 $0x10E00, s13  }
0x10: {  	s15 =	smax.u32 s15, $0x1;
	s14 =	sadd.s32 s9, s5;
	s5 =	sadd.s32 s6, s7  }
0x11: {  	s6 =	sadd.s32 s8, s2;
	s7 =	sadd.s32 $0x2D00, s13;
	s8 =	sadd.s32 $0x5A00, s13  }
0x12: {  	v0 =	vimm.f32 $0.0e+00;
	s9 =	sadd.s32 $0x8700, s13;
	s13 =	sadd.s32 $0x13B00, s13;
	s14 =	sadd.s32 $0x2CE00, s14  }
.LBB2_1:
0x13: {  	[tilespmem:s3], [sflag:$0x5] =	stream.linear.gather [hbm4b:s5+s3], $0x2710, $0x38;
	[tilespmem:$0x1E1E0] =	vst v63  }
0x14: {  	_ =	swait.ge [sflag:s16], $0x2710  }
0x15: {  	[sflag:s16] =	ssyncset.done $0x0  }
0x16: {  	s30 =	simm.s32 $0x0;
	s31 =	simm.s32 $0x240;
	[sflag:s16] =	ssyncadd.s32 $0xFFFFD8F0  }
.LBB2_2:
0x17: {  	p0 =	sne.s32 s31, $0xB1C0;
	[tilespmem:s30+$0x28D0] =	vst v0  }
0x18: {  	[tilespmem:s30+$0x2850] =	vst v0  }
0x19: {  	[tilespmem:s30+$0x2860] =	vst v0  }
0x1a: {  	[tilespmem:s30+$0x2870] =	vst v0  }
.Ltmp0:
0x1b: {  	[tilespmem:s30+$0x2880] =	vst v0;
	(pc) =	sbr.rel @p0 .LBB2_2-.Ltmp0, $4  }
0x1c: {  	[tilespmem:s30+$0x2890] =	vst v0  }
0x1d: {  	[tilespmem:s30+$0x28A0] =	vst v0  }
0x1e: {  	[tilespmem:s30+$0x28B0] =	vst v0  }
0x1f: {  	[tilespmem:s30+$0x28C0] =	vst v0;
	s30 =	sshra.s32 s31, $0x2;
	s31 =	sadd.s32 $0x240, s31  }
0x20: {  	[tilespmem:s30+$0x28D0] =	vst v0  }
0x21: {  	[tilespmem:s30+$0x2850] =	vst v0  }
0x22: {  	[tilespmem:s30+$0x2860] =	vst v0  }
0x23: {  	[tilespmem:s30+$0x2870] =	vst v0  }
0x24: {  	[tilespmem:s30+$0x2880] =	vst v0  }
0x25: {  	[tilespmem:s30+$0x2890] =	vst v0  }
0x26: {  	[tilespmem:s30+$0x28A0] =	vst v0  }
0x27: {  	[tilespmem:s30+$0x28B0] =	vst v0  }
0x28: {  	[tilespmem:s30+$0x28C0] =	vst v0  }
0x29: {  	[spmem:s6] =	stream.linear.scatter [tilespmem:s17], [sflag:$0x5], $0x2D00, $0x38;
	[tilespmem:$0x1E1E0] =	vst v63  }
0x2a: {  	_ =	swait.ge [sflag:s16], $0x2D00  }
0x2b: {  	[sflag:s16] =	ssyncset.done $0x0  }
0x2c: {  	[sflag:s16] =	ssyncadd.s32 $0xFFFFD300  }
0x2d: {  	[spmem:s7] =	stream.linear.scatter [tilespmem:s17], [sflag:$0x5], $0x2D00, $0x38;
	[tilespmem:$0x1E1E0] =	vst v63  }
0x2e: {  	_ =	swait.ge [sflag:s16], $0x2D00  }
0x2f: {  	[sflag:s16] =	ssyncset.done $0x0  }
0x30: {  	[sflag:s16] =	ssyncadd.s32 $0xFFFFD300  }
0x31: {  	[spmem:s8] =	stream.linear.scatter [tilespmem:s17], [sflag:$0x5], $0x2D00, $0x38;
	[tilespmem:$0x1E1E0] =	vst v63  }
0x32: {  	_ =	swait.ge [sflag:s16], $0x2D00  }
0x33: {  	[sflag:s16] =	ssyncset.done $0x0  }
0x34: {  	[sflag:s16] =	ssyncadd.s32 $0xFFFFD300  }
0x35: {  	[spmem:s9] =	stream.linear.scatter [tilespmem:s17], [sflag:$0x5], $0x2D00, $0x38;
	[tilespmem:$0x1E1E0] =	vst v63  }
0x36: {  	_ =	swait.ge [sflag:s16], $0x2D00  }
0x37: {  	[sflag:s16] =	ssyncset.done $0x0  }
0x38: {  	[sflag:s16] =	ssyncadd.s32 $0xFFFFD300  }
0x39: {  	[spmem:s10] =	stream.linear.scatter [tilespmem:s17], [sflag:$0x5], $0x2D00, $0x38;
	[tilespmem:$0x1E1E0] =	vst v63  }
0x3a: {  	_ =	swait.ge [sflag:s16], $0x2D00  }
0x3b: {  	[sflag:s16] =	ssyncset.done $0x0  }
0x3c: {  	[sflag:s16] =	ssyncadd.s32 $0xFFFFD300  }
0x3d: {  	[spmem:s11] =	stream.linear.scatter [tilespmem:s17], [sflag:$0x5], $0x2D00, $0x38;
	[tilespmem:$0x1E1E0] =	vst v63  }
0x3e: {  	_ =	swait.ge [sflag:s16], $0x2D00  }
0x3f: {  	[sflag:s16] =	ssyncset.done $0x0  }
0x40: {  	[sflag:s16] =	ssyncadd.s32 $0xFFFFD300  }
0x41: {  	[spmem:s12] =	stream.linear.scatter [tilespmem:s17], [sflag:$0x5], $0x2D00, $0x38;
	[tilespmem:$0x1E1E0] =	vst v63  }
0x42: {  	_ =	swait.ge [sflag:s16], $0x2D00  }
0x43: {  	[sflag:s16] =	ssyncset.done $0x0  }
0x44: {  	[sflag:s16] =	ssyncadd.s32 $0xFFFFD300  }
0x45: {  	[spmem:s13] =	stream.linear.scatter [tilespmem:s17], [sflag:$0x5], $0x2490, $0x38;
	[tilespmem:$0x1E1E0] =	vst v63  }
0x46: {  	_ =	swait.ge [sflag:s16], $0x2490  }
0x47: {  	[sflag:s16] =	ssyncset.done $0x0  }
0x48: {  	[sflag:s16] =	ssyncadd.s32 $0xFFFFDB70  }
0x49: {  	[bflag:$0x0] =	sbarrier.arrive $0xFFFF  }
0x4a: {  	v1 =	vld [tilespmem:$0x0];
	_ =	sdelay $0x1  }
0x4b: {  	v2 =	vld [tilespmem:$0x10];
	_ =	sdelay $0x1  }
0x4c: {  	v3 =	vld [tilespmem:$0x20]  }
0x4d: {  	v4 =	vshrl.u32 v1, $0x10  }
0x4e: {  	v61 =	vld [tilespmem:$0x30];
	v1 =	vand.u32 $0xFFFF, v1;
	[tilespmem:$0x2710] =	vst v4  }
0x4f: {  	[tilespmem:$0x2760] =	vst v1;
	v1 =	vshrl.u32 v2, $0x10  }
0x50: {  	[tilespmem:$0x2720] =	vst v1;
	v1 =	vand.u32 $0xFFFF, v2;
	v2 =	vld [tilespmem:$0x40]  }
0x51: {  	[tilespmem:$0x2770] =	vst v1;
	v1 =	vshrl.u32 v3, $0x10  }
0x52: {  	[tilespmem:$0x2730] =	vst v1;
	v1 =	vand.u32 $0xFFFF, v3  }
0x53: {  	[tilespmem:$0x2780] =	vst v1;
	v1 =	vshrl.u32 v61, $0x10  }
0x54: {  	[tilespmem:$0x2740] =	vst v1;
	v1 =	vand.u32 $0xFFFF, v61  }
0x55: {  	[tilespmem:$0x2790] =	vst v1;
	v1 =	vshrl.u32 v2, $0x10  }
0x56: {  	[tilespmem:$0x2750] =	vst v1;
	v1 =	vand.u32 $0xFFFF, v2  }
0x57: {  	[tilespmem:$0x27A0] =	vst v1  }
0x58: {  	[tilespmem:s17], [sflag:$0x1] =	stream.indirect.gather [hbm4b:s4+s18], $0x90, s19, s18, $0xb8;
	[tilespmem:$0x1E1E0] =	vst v63  }
0x59: {  	v1 =	vld [tilespmem:$0x50];
	_ =	sdelay $0x1  }
0x5a: {  	v2 =	vld [tilespmem:$0x60];
	_ =	sdelay $0x1  }
0x5b: {  	v3 =	vld [tilespmem:$0x70]  }
0x5c: {  	v62 =	vshrl.u32 v1, $0x10  }
0x5d: {  	v63 =	vld [tilespmem:$0x80];
	v1 =	vand.u32 $0xFFFF, v1;
	[tilespmem:$0x27B0] =	vst v62  }
0x5e: {  	[tilespmem:$0x2800] =	vst v1;
	v1 =	vshrl.u32 v2, $0x10  }
0x5f: {  	[tilespmem:$0x27C0] =	vst v1;
	v1 =	vand.u32 $0xFFFF, v2;
	v2 =	vld [tilespmem:$0x90]  }
0x60: {  	[tilespmem:$0x2810] =	vst v1;
	v1 =	vshrl.u32 v3, $0x10  }
0x61: {  	[tilespmem:$0x27D0] =	vst v1;
	v1 =	vand.u32 $0xFFFF, v3  }
0x62: {  	[tilespmem:$0x2820] =	vst v1;
	v1 =	vshrl.u32 v63, $0x10  }
0x63: {  	[tilespmem:$0x27E0] =	vst v1;
	v1 =	vand.u32 $0xFFFF, v63  }
0x64: {  	[tilespmem:$0x2830] =	vst v1;
	v1 =	vshrl.u32 v2, $0x10  }
0x65: {  	[tilespmem:$0x27F0] =	vst v1;
	v1 =	vand.u32 $0xFFFF, v2  }
0x66: {  	[tilespmem:$0x2840] =	vst v1  }
0x67: {  	[tilespmem:s21], [sflag:$0x2] =	stream.indirect.gather [hbm4b:s4+s18], $0x90, s20, s18, $0xb8;
	[tilespmem:$0x1E1E0] =	vst v63  }
0x68: {  	_ =	swait.ge [sflag:s22], $0x2D00  }
0x69: {  	[sflag:s22] =	ssyncset.done $0x0  }
0x6a: {  	[sflag:s22] =	ssyncadd.s32 $0xFFFFD300  }
0x6b: {  	[spmem:s2] =	stream.indirect.scatter.add.f32 [tilespmem:s17], [sflag:$0x3], $0x90, s23, s18, $0xb8;
	[tilespmem:$0x1E1E0] =	vst v63  }
0x6c: {  	_ =	swait.ge [sflag:s24], $0x2D00  }
0x6d: {  	[sflag:s24] =	ssyncset.done $0x0  }
0x6e: {  	s30 =	simm.s32 $0x130;
	[sflag:s24] =	ssyncadd.s32 $0xFFFFD300  }
0x6f: {  	v1 =	vld [tilespmem:s30+$0xFFFFFF70];
	_ =	sdelay $0x4  }
0x70: {  	v2 =	vshrl.u32 v1, $0x10  }
0x71: {  	v1 =	vand.u32 $0xFFFF, v1;
	[tilespmem:$0x2710] =	vst v2  }
0x72: {  	[tilespmem:$0x2760] =	vst v1  }
0x73: {  	v1 =	vld [tilespmem:s30+$0xFFFFFF80];
	_ =	sdelay $0x4  }
0x74: {  	v2 =	vshrl.u32 v1, $0x10  }
0x75: {  	v1 =	vand.u32 $0xFFFF, v1;
	[tilespmem:$0x2720] =	vst v2  }
0x76: {  	[tilespmem:$0x2770] =	vst v1  }
0x77: {  	v1 =	vld [tilespmem:s30+$0xFFFFFF90];
	_ =	sdelay $0x4  }
0x78: {  	v2 =	vshrl.u32 v1, $0x10  }
0x79: {  	v1 =	vand.u32 $0xFFFF, v1;
	[tilespmem:$0x2730] =	vst v2  }
0x7a: {  	[tilespmem:$0x2780] =	vst v1  }
0x7b: {  	v1 =	vld [tilespmem:s30+$0xFFFFFFA0];
	_ =	sdelay $0x4  }
0x7c: {  	v2 =	vshrl.u32 v1, $0x10  }
0x7d: {  	v1 =	vand.u32 $0xFFFF, v1;
	[tilespmem:$0x2740] =	vst v2  }
0x7e: {  	[tilespmem:$0x2790] =	vst v1  }
0x7f: {  	v1 =	vld [tilespmem:s30+$0xFFFFFFB0];
	_ =	sdelay $0x4  }
0x80: {  	v2 =	vshrl.u32 v1, $0x10  }
0x81: {  	v1 =	vand.u32 $0xFFFF, v1;
	[tilespmem:$0x2750] =	vst v2  }
0x82: {  	[tilespmem:$0x27A0] =	vst v1  }
0x83: {  	[tilespmem:s17], [sflag:$0x1] =	stream.indirect.gather [hbm4b:s4+s18], $0x90, s19, s18, $0xb8;
	[tilespmem:$0x1E1E0] =	vst v63  }
0x84: {  	_ =	swait.ge [sflag:s25], $0x2D00  }
0x85: {  	[sflag:s25] =	ssyncset.done $0x0  }
0x86: {  	[sflag:s25] =	ssyncadd.s32 $0xFFFFD300  }
0x87: {  	[spmem:s2] =	stream.indirect.scatter.add.f32 [tilespmem:s21], [sflag:$0x4], $0x90, s26, s18, $0xb8;
	[tilespmem:$0x1E1E0] =	vst v63  }
0x88: {  	_ =	swait.ge [sflag:s28], $0x2D00  }
0x89: {  	[sflag:s28] =	ssyncset.done $0x0  }
0x8a: {  	[sflag:s28] =	ssyncadd.s32 $0xFFFFD300  }
0x8b: {  	v1 =	vld [tilespmem:s30+$0xFFFFFFC0];
	_ =	sdelay $0x4  }
0x8c: {  	v2 =	vshrl.u32 v1, $0x10  }
0x8d: {  	v1 =	vand.u32 $0xFFFF, v1;
	[tilespmem:$0x27B0] =	vst v2  }
0x8e: {  	[tilespmem:$0x2800] =	vst v1  }
0x8f: {  	v1 =	vld [tilespmem:s30+$0xFFFFFFD0];
	_ =	sdelay $0x4  }
0x90: {  	v2 =	vshrl.u32 v1, $0x10  }
0x91: {  	v1 =	vand.u32 $0xFFFF, v1;
	[tilespmem:$0x27C0] =	vst v2  }
0x92: {  	[tilespmem:$0x2810] =	vst v1  }
0x93: {  	v1 =	vld [tilespmem:s30+$0xFFFFFFE0];
	_ =	sdelay $0x4  }
0x94: {  	v2 =	vshrl.u32 v1, $0x10  }
0x95: {  	v1 =	vand.u32 $0xFFFF, v1;
	[tilespmem:$0x27D0] =	vst v2  }
0x96: {  	[tilespmem:$0x2820] =	vst v1  }
0x97: {  	v1 =	vld [tilespmem:s30+$0xFFFFFFF0];
	_ =	sdelay $0x4  }
0x98: {  	s31 =	simm.s32 $0x740;
	v2 =	vshrl.u32 v1, $0x10;
	v1 =	vand.u32 $0xFFFF, v1  }
.LBB2_4:
0x99: {  	p0 =	sne.s32 s31, $0x9AC0;
	[tilespmem:$0x27E0] =	vst v2;
	s0 =	smov.u32 s31;
	s31 =	sadd.s32 $0x280, s31  }
0x9a: {  	[tilespmem:$0x2830] =	vst v1  }
0x9b: {  	v1 =	vld [tilespmem:s30+$0x0];
	_ =	sdelay $0x4  }
0x9c: {  	v2 =	vshrl.u32 v1, $0x10;
	v1 =	vand.u32 $0xFFFF, v1  }
0x9d: {  	[tilespmem:$0x27F0] =	vst v2  }
0x9e: {  	[tilespmem:$0x2840] =	vst v1  }
0x9f: {  	[tilespmem:s21], [sflag:$0x2] =	stream.indirect.gather [hbm4b:s4+s18], $0x90, s20, s18, $0xb8;
	[tilespmem:$0x1E1E0] =	vst v63  }
0xa0: {  	_ =	swait.ge [sflag:s22], $0x2D00  }
0xa1: {  	[sflag:s22] =	ssyncset.done $0x0  }
0xa2: {  	[sflag:s22] =	ssyncadd.s32 $0xFFFFD300  }
0xa3: {  	[spmem:s2] =	stream.indirect.scatter.add.f32 [tilespmem:s17], [sflag:$0x3], $0x90, s23, s18, $0xb8;
	[tilespmem:$0x1E1E0] =	vst v63  }
0xa4: {  	_ =	swait.ge [sflag:s24], $0x2D00  }
0xa5: {  	[sflag:s24] =	ssyncset.done $0x0  }
0xa6: {  	s30 =	sshra.s32 s0, $0x2;
	[sflag:s24] =	ssyncadd.s32 $0xFFFFD300  }
0xa7: {  	v1 =	vld [tilespmem:s30+$0xFFFFFF70];
	_ =	sdelay $0x4  }
0xa8: {  	v2 =	vshrl.u32 v1, $0x10;
	v1 =	vand.u32 $0xFFFF, v1  }
0xa9: {  	[tilespmem:$0x2710] =	vst v2  }
0xaa: {  	[tilespmem:$0x2760] =	vst v1  }
0xab: {  	v1 =	vld [tilespmem:s30+$0xFFFFFF80];
	_ =	sdelay $0x4  }
0xac: {  	v2 =	vshrl.u32 v1, $0x10;
	v1 =	vand.u32 $0xFFFF, v1  }
0xad: {  	[tilespmem:$0x2720] =	vst v2  }
0xae: {  	[tilespmem:$0x2770] =	vst v1  }
0xaf: {  	v1 =	vld [tilespmem:s30+$0xFFFFFF90];
	_ =	sdelay $0x4  }
0xb0: {  	v2 =	vshrl.u32 v1, $0x10;
	v1 =	vand.u32 $0xFFFF, v1  }
0xb1: {  	[tilespmem:$0x2730] =	vst v2  }
0xb2: {  	[tilespmem:$0x2780] =	vst v1  }
0xb3: {  	v1 =	vld [tilespmem:s30+$0xFFFFFFA0];
	_ =	sdelay $0x4  }
0xb4: {  	v2 =	vshrl.u32 v1, $0x10;
	v1 =	vand.u32 $0xFFFF, v1  }
0xb5: {  	[tilespmem:$0x2740] =	vst v2  }
0xb6: {  	[tilespmem:$0x2790] =	vst v1  }
0xb7: {  	v1 =	vld [tilespmem:s30+$0xFFFFFFB0];
	_ =	sdelay $0x4  }
0xb8: {  	v2 =	vshrl.u32 v1, $0x10;
	v1 =	vand.u32 $0xFFFF, v1  }
0xb9: {  	[tilespmem:$0x2750] =	vst v2  }
0xba: {  	[tilespmem:$0x27A0] =	vst v1  }
0xbb: {  	[tilespmem:s17], [sflag:$0x1] =	stream.indirect.gather [hbm4b:s4+s18], $0x90, s19, s18, $0xb8;
	[tilespmem:$0x1E1E0] =	vst v63  }
0xbc: {  	_ =	swait.ge [sflag:s25], $0x2D00  }
0xbd: {  	[sflag:s25] =	ssyncset.done $0x0  }
0xbe: {  	[sflag:s25] =	ssyncadd.s32 $0xFFFFD300  }
0xbf: {  	[spmem:s2] =	stream.indirect.scatter.add.f32 [tilespmem:s21], [sflag:$0x4], $0x90, s26, s18, $0xb8;
	[tilespmem:$0x1E1E0] =	vst v63  }
0xc0: {  	_ =	swait.ge [sflag:s28], $0x2D00  }
0xc1: {  	[sflag:s28] =	ssyncset.done $0x0  }
0xc2: {  	[sflag:s28] =	ssyncadd.s32 $0xFFFFD300  }
0xc3: {  	v1 =	vld [tilespmem:s30+$0xFFFFFFC0];
	_ =	sdelay $0x4  }
0xc4: {  	v2 =	vshrl.u32 v1, $0x10;
	v1 =	vand.u32 $0xFFFF, v1  }
0xc5: {  	[tilespmem:$0x27B0] =	vst v2  }
0xc6: {  	[tilespmem:$0x2800] =	vst v1  }
0xc7: {  	v1 =	vld [tilespmem:s30+$0xFFFFFFD0];
	_ =	sdelay $0x4  }
0xc8: {  	v2 =	vshrl.u32 v1, $0x10;
	v1 =	vand.u32 $0xFFFF, v1  }
0xc9: {  	[tilespmem:$0x27C0] =	vst v2  }
0xca: {  	[tilespmem:$0x2810] =	vst v1  }
0xcb: {  	v1 =	vld [tilespmem:s30+$0xFFFFFFE0];
	_ =	sdelay $0x4  }
0xcc: {  	v2 =	vshrl.u32 v1, $0x10;
	v1 =	vand.u32 $0xFFFF, v1  }
0xcd: {  	[tilespmem:$0x27D0] =	vst v2  }
0xce: {  	[tilespmem:$0x2820] =	vst v1  }
0xcf: {  	v1 =	vld [tilespmem:s30+$0xFFFFFFF0]  }
.Ltmp1:
0xd0: {  	(pc) =	sbr.rel @p0 .LBB2_4-.Ltmp1, $2  }
0xd1: {  	_ =	sdelay $0x2  }
0xd2: {  	v2 =	vshrl.u32 v1, $0x10;
	v1 =	vand.u32 $0xFFFF, v1  }
0xd3: {  	[tilespmem:$0x27E0] =	vst v2  }
0xd4: {  	[tilespmem:$0x2830] =	vst v1  }
0xd5: {  	v1 =	vld [tilespmem:s30+$0x0];
	_ =	sdelay $0x4  }
0xd6: {  	v2 =	vshrl.u32 v1, $0x10  }
0xd7: {  	v1 =	vand.u32 $0xFFFF, v1;
	[tilespmem:$0x27F0] =	vst v2  }
0xd8: {  	[tilespmem:$0x2840] =	vst v1  }
0xd9: {  	[tilespmem:s21], [sflag:$0x2] =	stream.indirect.gather [hbm4b:s4+s18], $0x90, s20, s18, $0xb8;
	[tilespmem:$0x1E1E0] =	vst v63  }
0xda: {  	_ =	swait.ge [sflag:s22], $0x2D00  }
0xdb: {  	[sflag:s22] =	ssyncset.done $0x0  }
0xdc: {  	[sflag:s22] =	ssyncadd.s32 $0xFFFFD300  }
0xdd: {  	[spmem:s2] =	stream.indirect.scatter.add.f32 [tilespmem:s17], [sflag:$0x3], $0x90, s23, s18, $0xb8;
	[tilespmem:$0x1E1E0] =	vst v63  }
0xde: {  	_ =	swait.ge [sflag:s24], $0x2D00  }
0xdf: {  	[sflag:s24] =	ssyncset.done $0x0  }
0xe0: {  	[sflag:s24] =	ssyncadd.s32 $0xFFFFD300  }
0xe1: {  	v1 =	vld [tilespmem:$0x26C0];
	_ =	sdelay $0x1  }
0xe2: {  	v2 =	vld [tilespmem:$0x26D0];
	_ =	sdelay $0x1  }
0xe3: {  	v3 =	vld [tilespmem:$0x26E0]  }
0xe4: {  	v4 =	vshrl.u32 v1, $0x10  }
0xe5: {  	v63 =	vld [tilespmem:$0x26F0];
	v1 =	vand.u32 $0xFFFF, v1;
	[tilespmem:$0x2710] =	vst v4  }
0xe6: {  	[tilespmem:$0x2760] =	vst v1;
	v1 =	vshrl.u32 v2, $0x10  }
0xe7: {  	[tilespmem:$0x2720] =	vst v1;
	v1 =	vand.u32 $0xFFFF, v2;
	v2 =	vld [tilespmem:$0x2700]  }
0xe8: {  	[tilespmem:$0x2770] =	vst v1;
	v1 =	vshrl.u32 v3, $0x10  }
0xe9: {  	[tilespmem:$0x2730] =	vst v1;
	v1 =	vand.u32 $0xFFFF, v3  }
0xea: {  	[tilespmem:$0x2780] =	vst v1;
	v1 =	vshrl.u32 v63, $0x10  }
0xeb: {  	[tilespmem:$0x2740] =	vst v1;
	v1 =	vand.u32 $0xFFFF, v63  }
0xec: {  	[tilespmem:$0x2790] =	vst v1;
	v1 =	vshrl.u32 v2, $0x10  }
0xed: {  	[tilespmem:$0x2750] =	vst v1;
	v1 =	vand.u32 $0xFFFF, v2  }
0xee: {  	[tilespmem:$0x27A0] =	vst v1  }
0xef: {  	[tilespmem:s17], [sflag:$0x1] =	stream.indirect.gather [hbm4b:s4+s18], $0x90, s19, s18, $0xb8;
	[tilespmem:$0x1E1E0] =	vst v63  }
0xf0: {  	_ =	swait.ge [sflag:s25], $0x2D00  }
0xf1: {  	[sflag:s25] =	ssyncset.done $0x0  }
0xf2: {  	[sflag:s25] =	ssyncadd.s32 $0xFFFFD300  }
0xf3: {  	[spmem:s2] =	stream.indirect.scatter.add.f32 [tilespmem:s21], [sflag:$0x4], $0x90, s26, s18, $0xb8;
	[tilespmem:$0x1E1E0] =	vst v63  }
0xf4: {  	_ =	swait.ge [sflag:s28], $0x2D00  }
0xf5: {  	[sflag:s28] =	ssyncset.done $0x0  }
0xf6: {  	[sflag:s28] =	ssyncadd.s32 $0xFFFFD300  }
0xf7: {  	_ =	swait.ge [sflag:s22], $0x2D00  }
0xf8: {  	[sflag:s22] =	ssyncset.done $0x0  }
0xf9: {  	[sflag:s22] =	ssyncadd.s32 $0xFFFFD300  }
0xfa: {  	[spmem:s2] =	stream.indirect.scatter.add.f32 [tilespmem:s17], [sflag:$0x3], $0x90, s23, s18, $0xb8;
	[tilespmem:$0x1E1E0] =	vst v63  }
0xfb: {  	_ =	swait.ge [sflag:s24], $0x2D00  }
0xfc: {  	s0 =	sshll.u32 s1, $0x6;
	s29 =	sadd.s32 $0x1, s29;
	[sflag:s24] =	ssyncset.done $0x0  }
0xfd: {  	s31 =	sshrl.u32 s6, $0x3;
	p0 =	sne.s32 s29, s15;
	[sflag:s24] =	ssyncadd.s32 $0xFFFFD300  }
.Ltmp2:
0xfe: {  	s0 =	sor.u32 $0x1C05, s0;
	[bflag:$0x0] =	sbarrier.arrive $0xFFFF;
	(pc) =	sbr.rel @p0 .LBB2_1-.Ltmp2, $4  }
0xff: {  	[hbm:s14], [sflag:s0] =	dma.local [spmem:s31], $0x2BF2  }
0x100: {  	_ =	swait.ge [sflag:s16], $0x2BF2  }
0x101: {  	[sflag:s16] =	ssyncset.done $0x0  }
0x102: {  	[sflag:s16] =	ssyncadd.s32 $0xFFFFD40E  }
0x103: {  	_ =	sfence.sel $0x180000  }
0x104: {  	[bflag:$0x0] =	sbarrier.arrive $0xFFFF  }
0x105: {  	_ =	strace $0x90000047  }
0x106: {  	[bflag:$0x2] =	sbarrier.arrive $0xFFFF  }
0x107: {  	p0 =	sne.s32 s1, $0x0;
	s0 =	rddreg [dreg:$0x3]  }
0x108: {  	s0 =	sadd.s32 @!p0 $0x100000, s0  }
0x109: {  	[sflag:s0] =	ssyncadd.tile.s32 @!p0 $0x1;
	_ =	shalt  }
.Lfunc_end2:
_tile_overlayer_lowered:
.L_overlay_start_2:
0x10a: {  	(tag) =	ssettag $0x2  }
0x10b: {  	s0 =	rddreg [dreg:$0x0];
	s2 =	stileid.u32  }
0x10c: {  	s1 =	rddreg [dreg:$0x1];
	p0 =	sne.s32 s2, $0x0  }
0x10d: {  	s3 =	rddreg [dreg:$0x2];
	[bflag:$0x3] =	sbarrier.arrive $0xFFFF;
	s2 =	simm.s32 @!p0 $0x1C05  }
0x10e: {  	[timem:s3], [sflag:s2] =	dma.local @!p0 [hbm:s0], s1  }
0x10f: {  	s0 =	simm.s32 @!p0 $0x5  }
0x110: {  	_ =	swait.ge @!p0 [sflag:s0], s1  }
0x111: {  	s1 =	ssub.s32 @!p0 $0x0, s1;
	[sflag:s0] =	ssyncset.done @!p0 $0x0  }
0x112: {  	[sflag:s0] =	ssyncadd.s32 @!p0 s1  }
0x113: {  	[bflag:$0x3] =	sbarrier.arrive $0xFFFF  }
0x114: {  	_ =	shalt  }

</sc_bundles>
